<compile_context>
chip_gen: v7x
topology: tpu7x:2x2x1
jax: 0.10.2.dev20260603
libtpu: 0.0.44.dev20260713+nightly
codegen_flags: <defaults>
</compile_context>

<pallas_src>
import dataclasses
import functools

import jax
import jax.numpy as jnp
from jax import lax
from jax.experimental import pallas as pl
from jax.experimental.pallas import tpu as pltpu
from jax.experimental.pallas import tpu_sc as plsc

_N = 10000
_E = 320000
_D = 128
_NTILES = 32
_EPT = _E // _NTILES
_CH = 100
_EPTF = _E // 16
_NCH = _EPTF // _CH
_HD = _D // 2
_NP = 10240
_RPT = _NP // 16

_mesh = plsc.VectorSubcoreMesh(core_axis_name="c", subcore_axis_name="s")

_sc_params = pltpu.CompilerParams()
if "needs_layout_passes" in pltpu.CompilerParams.__dataclass_fields__:
    _sc_params = dataclasses.replace(_sc_params, needs_layout_passes=False)
_sc_edge_params = dataclasses.replace(_sc_params, use_tc_tiling_on_sc=False)


@functools.partial(
    pl.kernel,
    out_type=jax.ShapeDtypeStruct((_NTILES, _NP), jnp.float32),
    mesh=_mesh,
    scratch_types=[
        pltpu.VMEM((_EPT // 16, 16), jnp.int32),
        pltpu.VMEM((_NP,), jnp.float32),
    ],
    compiler_params=_sc_params,
)
def _sc_deg(dst_hbm, out_hbm, dst_v, hist_v):
    c = lax.axis_index("c")
    s = lax.axis_index("s")
    w = c * 16 + s
    pltpu.sync_copy(dst_hbm.at[w], dst_v)
    zero16 = jnp.zeros((16,), jnp.float32)
    one16 = jnp.full((16,), 1.0, jnp.float32)

    @pl.loop(0, _NP // 16)
    def _(i):
        hist_v[pl.ds(pl.multiple_of(i * 16, 16), 16)] = zero16

    @pl.loop(0, _EPT // 16)
    def _(i):
        plsc.addupdate_scatter(hist_v, [dst_v[i]], one16)

    pltpu.sync_copy(hist_v, out_hbm.at[w])


@functools.partial(
    pl.kernel,
    out_type=jax.ShapeDtypeStruct((_NP, _D), jnp.float32),
    mesh=_mesh,
    scratch_types=[
        pltpu.VMEM((_NCH, _CH), jnp.int32),
        pltpu.VMEM((_NCH, _CH), jnp.int32),
        pltpu.VMEM((_CH, _HD), jnp.float32),
        pltpu.VMEM((_CH, _HD), jnp.float32),
        pltpu.VMEM((_CH, _HD), jnp.float32),
        pltpu.VMEM((_CH, _HD), jnp.float32),
        pltpu.VMEM_SHARED((_NP, _HD), jnp.float32),
        pltpu.SemaphoreType.DMA,
        pltpu.SemaphoreType.DMA,
        pltpu.SemaphoreType.DMA,
        pltpu.SemaphoreType.DMA,
        pltpu.SemaphoreType.DMA,
        pltpu.SemaphoreType.DMA,
        pltpu.SemaphoreType.DMA,
        pltpu.SemaphoreType.DMA,
    ],
    compiler_params=_sc_edge_params,
)
def _sc_edge(g_hbm, src_hbm, dst_hbm, zeros_hbm, out_hbm,
             src_v, dst_v, r0, r1, r2, r3, acc_sh,
             g0, g1, g2, g3, s0, s1, s2, s3):
    c = lax.axis_index("c")
    s = lax.axis_index("s")
    w = c * 16 + s
    pltpu.sync_copy(src_hbm.at[w], src_v)
    pltpu.sync_copy(dst_hbm.at[s], dst_v)
    row0 = s * _RPT
    pltpu.sync_copy(zeros_hbm.at[pl.ds(row0, _RPT)], acc_sh.at[pl.ds(row0, _RPT)])
    plsc.subcore_barrier()

    rows = (r0, r1, r2, r3)
    gs = (g0, g1, g2, g3)
    ss = (s0, s1, s2, s3)
    for k in range(4):
        pltpu.async_copy(g_hbm.at[src_v.at[k]], rows[k], gs[k])

    @pl.loop(0, _NCH - 4, step=4)
    def _(j):
        for k in range(4):
            pltpu.make_async_copy(g_hbm.at[src_v.at[j + k]], rows[k], gs[k]).wait()
            pltpu.async_copy(rows[k], acc_sh.at[dst_v.at[j + k]], ss[k], add=True)
        for k in range(4):
            pltpu.make_async_copy(rows[k], acc_sh.at[dst_v.at[j + k]], ss[k]).wait()
            pltpu.async_copy(g_hbm.at[src_v.at[j + 4 + k]], rows[k], gs[k])

    _last = _NCH - 4
    for k in range(4):
        pltpu.make_async_copy(g_hbm.at[src_v.at[_last + k]], rows[k], gs[k]).wait()
        pltpu.async_copy(rows[k], acc_sh.at[dst_v.at[_last + k]], ss[k], add=True)
    for k in range(4):
        pltpu.make_async_copy(rows[k], acc_sh.at[dst_v.at[_last + k]], ss[k]).wait()

    plsc.subcore_barrier()
    pltpu.sync_copy(acc_sh.at[pl.ds(row0, _RPT)],
                    out_hbm.at[pl.ds(row0, _RPT), pl.ds(c * _HD, _HD)])


def _tc_h_body(x_ref, w_ref, h_ref):
    h_ref[...] = jnp.dot(x_ref[...], w_ref[...],
                         preferred_element_type=jnp.float32)


_tc_h = pl.pallas_call(
    _tc_h_body,
    out_shape=jax.ShapeDtypeStruct((_N, _D), jnp.float32),
)


def _tc_scale_body(h_ref, dr_ref, g_ref, dinv_ref):
    drt = jnp.transpose(dr_ref[...])
    deg = jnp.sum(drt[:_N], axis=1, keepdims=True) + 1.0
    dinv = lax.rsqrt(deg)
    dinv_ref[...] = dinv
    g_ref[...] = h_ref[...] * dinv


_tc_scale = pl.pallas_call(
    _tc_scale_body,
    out_shape=[
        jax.ShapeDtypeStruct((_N, _D), jnp.float32),
        jax.ShapeDtypeStruct((_N, 1), jnp.float32),
    ],
)


def _s_plus_g(acc_ref, g_ref):
    return acc_ref[:_N] + g_ref[...]


def _tc_mid_body(acc_ref, g_ref, dinv_ref, b_ref, gam_ref, bet_ref, w_ref,
                 out_ref):
    dinv = dinv_ref[...]
    z = dinv * _s_plus_g(acc_ref, g_ref) + b_ref[...]
    mean = jnp.mean(z, axis=0, keepdims=True)
    var = jnp.mean((z - mean) ** 2, axis=0, keepdims=True)
    z = (z - mean) * lax.rsqrt(var + 1e-5) * gam_ref[...] + bet_ref[...]
    z = jnp.maximum(z, 0.0)
    h2 = jnp.dot(z, w_ref[...], preferred_element_type=jnp.float32)
    out_ref[...] = h2 * dinv


_tc_mid = pl.pallas_call(
    _tc_mid_body,
    out_shape=jax.ShapeDtypeStruct((_N, _D), jnp.float32),
)


def _tc_fin_body(acc_ref, g_ref, dinv_ref, b_ref, out_ref):
    out_ref[...] = dinv_ref[...] * _s_plus_g(acc_ref, g_ref) + b_ref[...]


_tc_fin = pl.pallas_call(
    _tc_fin_body,
    out_shape=jax.ShapeDtypeStruct((_N, _D), jnp.float32),
)


def kernel(x, edge_index, W1, b1, gamma, beta, W2, b2):
    src16 = edge_index[0].reshape(16, _NCH, _CH)
    srcadj = jnp.stack([2 * src16, 2 * src16 + 1]).reshape(_NTILES, _NCH, _CH)
    dst = edge_index[1].reshape(16, _NCH, _CH)
    dst16 = edge_index[1].reshape(_NTILES, _EPT // 16, 16)
    zeros64 = jnp.zeros((_NP, _HD), jnp.float32)
    b1r = b1.reshape(1, _D)
    b2r = b2.reshape(1, _D)
    gammar = gamma.reshape(1, _D)
    betar = beta.reshape(1, _D)

    deg_raw = _sc_deg(dst16)
    h1 = _tc_h(x, W1)
    g1, dinv = _tc_scale(h1, deg_raw)
    acc1 = _sc_edge(g1.reshape(2 * _N, _HD), srcadj, dst, zeros64)
    g2 = _tc_mid(acc1, g1, dinv, b1r, gammar, betar, W2)
    acc2 = _sc_edge(g2.reshape(2 * _N, _HD), srcadj, dst, zeros64)
    out = _tc_fin(acc2, g2, dinv, b2r)
    return out

# --- scband reference (transcript-rebuilt; emitter-appended) ---
"""Pipeline reference for scband-gconv-50199577756043 (READ-ONLY COPY).

The authoritative reference and input builder live on the scoring server;
editing this copy changes nothing except your own understanding.
"""

import jax, jax.numpy as jnp
import numpy as np

N = 10000
E = 320000
D = 128  # input_dim (num_features=1 so expanded_input_dim == D)
H = 128  # hidden_dim; conv1 out = num_features*H = 128
EPS = 1e-5


def setup_inputs(seed: int = 0) -> dict:
    key = jax.random.key(seed)
    ks = jax.random.split(key, 9)
    x = jax.random.normal(ks[0], (N, D), dtype=jnp.float32)
    edge_index = jax.random.randint(ks[1], (2, E), 0, N, dtype=jnp.int32)
    # GCNConv layer 1: weight [D, H1], bias [H1]
    W1 = jax.random.normal(ks[2], (D, H), dtype=jnp.float32) * (1.0 / np.sqrt(D))
    b1 = jnp.zeros((H,), dtype=jnp.float32)
    # BatchNorm1d params
    gamma = jnp.ones((H,), dtype=jnp.float32)
    beta = jnp.zeros((H,), dtype=jnp.float32)
    # GCNConv layer 2: weight [H, H], bias [H]
    W2 = jax.random.normal(ks[3], (H, H), dtype=jnp.float32) * (1.0 / np.sqrt(H))
    b2 = jnp.zeros((H,), dtype=jnp.float32)
    return {"x": x, "edge_index": edge_index, "W1": W1, "b1": b1,
            "gamma": gamma, "beta": beta, "W2": W2, "b2": b2}


def _gcn_conv(x, edge_index, W, b):
    # GCNConv with add_self_loops=True, normalize=True, edge_weight=None
    src = edge_index[0]
    dst = edge_index[1]
    loop = jnp.arange(N, dtype=src.dtype)
    src2 = jnp.concatenate([src, loop])
    dst2 = jnp.concatenate([dst, loop])
    w = jnp.ones((src2.shape[0],), dtype=jnp.float32)
    deg = jnp.zeros((N,), dtype=jnp.float32).at[dst2].add(w)
    dinv = jnp.where(deg > 0, jax.lax.rsqrt(deg), 0.0)
    norm = dinv[src2] * w * dinv[dst2]
    h = x @ W
    msg = h[src2] * norm[:, None]
    out = jnp.zeros((N, h.shape[1]), dtype=jnp.float32).at[dst2].add(msg)
    return out + b


def reference(x, edge_index, W1, b1, gamma, beta, W2, b2):
    # num_features == 1 -> no repeat
    z = _gcn_conv(x, edge_index, W1, b1)
    # BatchNorm1d (training-mode batch statistics)
    mean = jnp.mean(z, axis=0)
    var = jnp.mean((z - mean) ** 2, axis=0)
    z = (z - mean) * jax.lax.rsqrt(var + EPS) * gamma + beta
    z = jax.nn.relu(z)
    z = _gcn_conv(z, edge_index, W2, b2)
    return z

if __name__ == "__main__":
    import jax
    _d = setup_inputs()
    print(jax.jit(kernel)(*tuple(_d.values())))

</pallas_src>

<mosaic_0001>
#map = affine_map<(d0, d1) -> (0, 0, 0)>
#map1 = affine_map<(d0, d1) -> (0, 0)>
module attributes {stable_mosaic.version = 14 : i64} {
  func.func @_sc_deg(%arg0: i32, %arg1: i32, %arg2: memref<32x625x16xi32, #tpu.memory_space<hbm>>, %arg3: memref<32x10240xf32, #tpu.memory_space<hbm>>, %arg4: memref<625x16xi32, #tpu.memory_space<vmem>>, %arg5: memref<10240xf32, #tpu.memory_space<vmem>>) attributes {dimension_semantics = [#tpu.dimension_semantics<core_parallel>, #tpu.dimension_semantics<subcore_parallel>], iteration_bounds = array<i64: 2, 16>, scalar_prefetch = 0 : i64, scratch_operands = 2 : i64, tpu.core_type = #tpu.core_type<sc_vector_subcore>, window_params = [{transform_indices = #map}, {transform_indices = #map1}]} {
    %mul3A = arith.constant 16 : i32
    %mul3A_0 = arith.muli %arg0, %mul3A : i32
    %add3A = arith.addi %mul3A_0, %arg1 : i32
    "tpu.region"() ({
      %run_scoped3A = tpu.sem_alloc : memref<!tpu.dma_semaphore, #tpu.memory_space<semaphore_mem>>
      %dma_start3A = arith.constant 0 : i32
      %dma_start3A_13 = arith.constant 0 : i32
      %dma_start3A_14 = tpu.memref_slice %arg2[%add3A, %dma_start3A, %dma_start3A_13] : memref<32x625x16xi32, #tpu.memory_space<hbm>> -> memref<1x625x16xi32, #tpu.memory_space<hbm>>
      %dma_start3A_15 = tpu.memref_squeeze %dma_start3A_14 : memref<1x625x16xi32, #tpu.memory_space<hbm>> -> memref<625x16xi32, #tpu.memory_space<hbm>>
      %dma_start3A_16 = arith.constant 0 : i32
      %dma_start3A_17 = arith.constant 0 : i32
      %dma_start3A_18 = tpu.memref_slice %arg2[%add3A, %dma_start3A_16, %dma_start3A_17] : memref<32x625x16xi32, #tpu.memory_space<hbm>> -> memref<1x625x16xi32, #tpu.memory_space<hbm>>
      %dma_start3A_19 = tpu.memref_squeeze %dma_start3A_18 : memref<1x625x16xi32, #tpu.memory_space<hbm>> -> memref<625x16xi32, #tpu.memory_space<hbm>>
      tpu.enqueue_dma source(%dma_start3A_19 : memref<625x16xi32, #tpu.memory_space<hbm>>) target(%arg4 : memref<625x16xi32, #tpu.memory_space<vmem>>) target_semaphore(%run_scoped3A : memref<!tpu.dma_semaphore, #tpu.memory_space<semaphore_mem>>)
      %dma_wait3A = arith.constant 0 : i32
      %dma_wait3A_20 = arith.constant 0 : i32
      %dma_wait3A_21 = tpu.memref_slice %arg2[%add3A, %dma_wait3A, %dma_wait3A_20] : memref<32x625x16xi32, #tpu.memory_space<hbm>> -> memref<1x625x16xi32, #tpu.memory_space<hbm>>
      %dma_wait3A_22 = tpu.memref_squeeze %dma_wait3A_21 : memref<1x625x16xi32, #tpu.memory_space<hbm>> -> memref<625x16xi32, #tpu.memory_space<hbm>>
      %dma_wait3A_23 = arith.constant 0 : i32
      %dma_wait3A_24 = arith.constant 0 : i32
      %dma_wait3A_25 = tpu.memref_slice %arg2[%add3A, %dma_wait3A_23, %dma_wait3A_24] : memref<32x625x16xi32, #tpu.memory_space<hbm>> -> memref<1x625x16xi32, #tpu.memory_space<hbm>>
      %dma_wait3A_26 = tpu.memref_squeeze %dma_wait3A_25 : memref<1x625x16xi32, #tpu.memory_space<hbm>> -> memref<625x16xi32, #tpu.memory_space<hbm>>
      tpu.wait_dma2 semaphore(%run_scoped3A : memref<!tpu.dma_semaphore, #tpu.memory_space<semaphore_mem>>) src(%dma_wait3A_26 : memref<625x16xi32, #tpu.memory_space<hbm>>) dst(%arg4 : memref<625x16xi32, #tpu.memory_space<vmem>>)
      tpu.yield
    }) : () -> ()
    %broadcast_in_dim3A = arith.constant 0.000000e+00 : f32
    %broadcast_in_dim3A_1 = vector.broadcast %broadcast_in_dim3A : f32 to vector<16xf32>
    %broadcast_in_dim3A_2 = arith.constant 1.000000e+00 : f32
    %broadcast_in_dim3A_3 = vector.broadcast %broadcast_in_dim3A_2 : f32 to vector<16xf32>
    %scan3A = arith.constant 0 : i32
    %scan3A_4 = arith.constant 640 : i32
    %scan3A_5 = arith.addi %scan3A, %scan3A_4 : i32
    %scan3A_6 = arith.constant 1 : i32
    scf.for %scan3A_13 = %scan3A to %scan3A_5 step %scan3A_6  : i32 {
      %mul3A_14 = arith.constant 1 : i32
      %mul3A_15 = arith.muli %scan3A_13, %mul3A_14 : i32
      %add3A_16 = arith.constant 0 : i32
      %add3A_17 = arith.addi %add3A_16, %mul3A_15 : i32
      %mul3A_18 = arith.constant 16 : i32
      %mul3A_19 = arith.muli %add3A_17, %mul3A_18 : i32
      %multiple_of3A = tpu.assume_multiple %mul3A_19, 16 : i32
      %swap3A = arith.index_cast %multiple_of3A : i32 to index
      %swap3A_20 = tpu.vector_load %arg5[%swap3A] {strides = array<i32>} : memref<10240xf32, #tpu.memory_space<vmem>>, vector<16xf32>,
      tpu.vector_store %arg5[%swap3A], %broadcast_in_dim3A_1 {strides = array<i32>} : memref<10240xf32, #tpu.memory_space<vmem>>, vector<16xf32>,
    }
    %scan3A_7 = arith.constant 640 : i32
    %scan3A_8 = arith.constant 0 : i32
    %scan3A_9 = arith.constant 625 : i32
    %scan3A_10 = arith.addi %scan3A_8, %scan3A_9 : i32
    %scan3A_11 = arith.constant 1 : i32
    scf.for %scan3A_13 = %scan3A_8 to %scan3A_10 step %scan3A_11  : i32 {
      %mul3A_14 = arith.constant 1 : i32
      %mul3A_15 = arith.muli %scan3A_13, %mul3A_14 : i32
      %add3A_16 = arith.constant 0 : i32
      %add3A_17 = arith.addi %add3A_16, %mul3A_15 : i32
      %get3A = arith.index_cast %add3A_17 : i32 to index
      %get3A_18 = arith.constant 0 : index
      %get3A_19 = tpu.vector_load %arg4[%get3A, %get3A_18] {strides = array<i32>} : memref<625x16xi32, #tpu.memory_space<vmem>>, vector<16xi32>,
      tpu.vector_store_idx %arg5[%get3A_19], %broadcast_in_dim3A_3 {add = true} : memref<10240xf32, #tpu.memory_space<vmem>>[vector<16xi32>], vector<16xf32>,
    }
    %scan3A_12 = arith.constant 625 : i32
    "tpu.region"() ({
      %run_scoped3A = tpu.sem_alloc : memref<!tpu.dma_semaphore, #tpu.memory_space<semaphore_mem>>
      %dma_start3A = arith.constant 0 : i32
      %dma_start3A_13 = tpu.memref_slice %arg3[%add3A, %dma_start3A] : memref<32x10240xf32, #tpu.memory_space<hbm>> -> memref<1x10240xf32, #tpu.memory_space<hbm>>
      %dma_start3A_14 = tpu.memref_squeeze %dma_start3A_13 : memref<1x10240xf32, #tpu.memory_space<hbm>> -> memref<10240xf32, #tpu.memory_space<hbm>>
      %dma_start3A_15 = arith.constant 0 : i32
      %dma_start3A_16 = tpu.memref_slice %arg3[%add3A, %dma_start3A_15] : memref<32x10240xf32, #tpu.memory_space<hbm>> -> memref<1x10240xf32, #tpu.memory_space<hbm>>
      %dma_start3A_17 = tpu.memref_squeeze %dma_start3A_16 : memref<1x10240xf32, #tpu.memory_space<hbm>> -> memref<10240xf32, #tpu.memory_space<hbm>>
      tpu.enqueue_dma source(%arg5 : memref<10240xf32, #tpu.memory_space<vmem>>) target(%dma_start3A_17 : memref<10240xf32, #tpu.memory_space<hbm>>) target_semaphore(%run_scoped3A : memref<!tpu.dma_semaphore, #tpu.memory_space<semaphore_mem>>)
      %dma_wait3A = arith.constant 0 : i32
      %dma_wait3A_18 = tpu.memref_slice %arg3[%add3A, %dma_wait3A] : memref<32x10240xf32, #tpu.memory_space<hbm>> -> memref<1x10240xf32, #tpu.memory_space<hbm>>
      %dma_wait3A_19 = tpu.memref_squeeze %dma_wait3A_18 : memref<1x10240xf32, #tpu.memory_space<hbm>> -> memref<10240xf32, #tpu.memory_space<hbm>>
      %dma_wait3A_20 = arith.constant 0 : i32
      %dma_wait3A_21 = tpu.memref_slice %arg3[%add3A, %dma_wait3A_20] : memref<32x10240xf32, #tpu.memory_space<hbm>> -> memref<1x10240xf32, #tpu.memory_space<hbm>>
      %dma_wait3A_22 = tpu.memref_squeeze %dma_wait3A_21 : memref<1x10240xf32, #tpu.memory_space<hbm>> -> memref<10240xf32, #tpu.memory_space<hbm>>
      tpu.wait_dma2 semaphore(%run_scoped3A : memref<!tpu.dma_semaphore, #tpu.memory_space<semaphore_mem>>) src(%arg5 : memref<10240xf32, #tpu.memory_space<vmem>>) dst(%dma_wait3A_22 : memref<10240xf32, #tpu.memory_space<hbm>>)
      tpu.yield
    }) : () -> ()
    return
  }
}

#map = affine_map<(d0, d1) -> (0, 0)>
#map1 = affine_map<(d0, d1) -> (0, 0, 0)>
module attributes {stable_mosaic.version = 14 : i64} {
  func.func @_sc_edge(%arg0: i32, %arg1: i32, %arg2: memref<20000x64xf32, #tpu.memory_space<hbm>>, %arg3: memref<32x200x100xi32, #tpu.memory_space<hbm>>, %arg4: memref<16x200x100xi32, #tpu.memory_space<hbm>>, %arg5: memref<10240x64xf32, #tpu.memory_space<hbm>>, %arg6: memref<10240x128xf32, #tpu.memory_space<hbm>>, %arg7: memref<200x100xi32, #tpu.memory_space<vmem>>, %arg8: memref<200x100xi32, #tpu.memory_space<vmem>>, %arg9: memref<100x64xf32, #tpu.memory_space<vmem>>, %arg10: memref<100x64xf32, #tpu.memory_space<vmem>>, %arg11: memref<100x64xf32, #tpu.memory_space<vmem>>, %arg12: memref<100x64xf32, #tpu.memory_space<vmem>>, %arg13: memref<10240x64xf32, #tpu.memory_space<vmem_shared>>, %arg14: memref<!tpu.dma_semaphore, #tpu.memory_space<semaphore_mem>>, %arg15: memref<!tpu.dma_semaphore, #tpu.memory_space<semaphore_mem>>, %arg16: memref<!tpu.dma_semaphore, #tpu.memory_space<semaphore_mem>>, %arg17: memref<!tpu.dma_semaphore, #tpu.memory_space<semaphore_mem>>, %arg18: memref<!tpu.dma_semaphore, #tpu.memory_space<semaphore_mem>>, %arg19: memref<!tpu.dma_semaphore, #tpu.memory_space<semaphore_mem>>, %arg20: memref<!tpu.dma_semaphore, #tpu.memory_space<semaphore_mem>>, %arg21: memref<!tpu.dma_semaphore, #tpu.memory_space<semaphore_mem>>) attributes {dimension_semantics = [#tpu.dimension_semantics<core_parallel>, #tpu.dimension_semantics<subcore_parallel>], iteration_bounds = array<i64: 2, 16>, scalar_prefetch = 0 : i64, scratch_operands = 15 : i64, tpu.core_type = #tpu.core_type<sc_vector_subcore>, window_params = [{transform_indices = #map}, {transform_indices = #map1}, {transform_indices = #map1}, {transform_indices = #map}, {transform_indices = #map}]} {
    %mul3A = arith.constant 16 : i32
    %mul3A_0 = arith.muli %arg0, %mul3A : i32
    %add3A = arith.addi %mul3A_0, %arg1 : i32
    "tpu.region"() ({
      %run_scoped3A = tpu.sem_alloc : memref<!tpu.dma_semaphore, #tpu.memory_space<semaphore_mem>>
      %dma_start3A_120 = arith.constant 0 : i32
      %dma_start3A_121 = arith.constant 0 : i32
      %dma_start3A_122 = tpu.memref_slice %arg3[%add3A, %dma_start3A_120, %dma_start3A_121] : memref<32x200x100xi32, #tpu.memory_space<hbm>> -> memref<1x200x100xi32, #tpu.memory_space<hbm>>
      %dma_start3A_123 = tpu.memref_squeeze %dma_start3A_122 : memref<1x200x100xi32, #tpu.memory_space<hbm>> -> memref<200x100xi32, #tpu.memory_space<hbm>>
      %dma_start3A_124 = arith.constant 0 : i32
      %dma_start3A_125 = arith.constant 0 : i32
      %dma_start3A_126 = tpu.memref_slice %arg3[%add3A, %dma_start3A_124, %dma_start3A_125] : memref<32x200x100xi32, #tpu.memory_space<hbm>> -> memref<1x200x100xi32, #tpu.memory_space<hbm>>
      %dma_start3A_127 = tpu.memref_squeeze %dma_start3A_126 : memref<1x200x100xi32, #tpu.memory_space<hbm>> -> memref<200x100xi32, #tpu.memory_space<hbm>>
      tpu.enqueue_dma source(%dma_start3A_127 : memref<200x100xi32, #tpu.memory_space<hbm>>) target(%arg7 : memref<200x100xi32, #tpu.memory_space<vmem>>) target_semaphore(%run_scoped3A : memref<!tpu.dma_semaphore, #tpu.memory_space<semaphore_mem>>)
      %dma_wait3A_128 = arith.constant 0 : i32
      %dma_wait3A_129 = arith.constant 0 : i32
      %dma_wait3A_130 = tpu.memref_slice %arg3[%add3A, %dma_wait3A_128, %dma_wait3A_129] : memref<32x200x100xi32, #tpu.memory_space<hbm>> -> memref<1x200x100xi32, #tpu.memory_space<hbm>>
      %dma_wait3A_131 = tpu.memref_squeeze %dma_wait3A_130 : memref<1x200x100xi32, #tpu.memory_space<hbm>> -> memref<200x100xi32, #tpu.memory_space<hbm>>
      %dma_wait3A_132 = arith.constant 0 : i32
      %dma_wait3A_133 = arith.constant 0 : i32
      %dma_wait3A_134 = tpu.memref_slice %arg3[%add3A, %dma_wait3A_132, %dma_wait3A_133] : memref<32x200x100xi32, #tpu.memory_space<hbm>> -> memref<1x200x100xi32, #tpu.memory_space<hbm>>
      %dma_wait3A_135 = tpu.memref_squeeze %dma_wait3A_134 : memref<1x200x100xi32, #tpu.memory_space<hbm>> -> memref<200x100xi32, #tpu.memory_space<hbm>>
      tpu.wait_dma2 semaphore(%run_scoped3A : memref<!tpu.dma_semaphore, #tpu.memory_space<semaphore_mem>>) src(%dma_wait3A_135 : memref<200x100xi32, #tpu.memory_space<hbm>>) dst(%arg7 : memref<200x100xi32, #tpu.memory_space<vmem>>)
      tpu.yield
    }) : () -> ()
    "tpu.region"() ({
      %run_scoped3A = tpu.sem_alloc : memref<!tpu.dma_semaphore, #tpu.memory_space<semaphore_mem>>
      %dma_start3A_120 = arith.constant 0 : i32
      %dma_start3A_121 = arith.constant 0 : i32
      %dma_start3A_122 = tpu.memref_slice %arg4[%arg1, %dma_start3A_120, %dma_start3A_121] : memref<16x200x100xi32, #tpu.memory_space<hbm>> -> memref<1x200x100xi32, #tpu.memory_space<hbm>>
      %dma_start3A_123 = tpu.memref_squeeze %dma_start3A_122 : memref<1x200x100xi32, #tpu.memory_space<hbm>> -> memref<200x100xi32, #tpu.memory_space<hbm>>
      %dma_start3A_124 = arith.constant 0 : i32
      %dma_start3A_125 = arith.constant 0 : i32
      %dma_start3A_126 = tpu.memref_slice %arg4[%arg1, %dma_start3A_124, %dma_start3A_125] : memref<16x200x100xi32, #tpu.memory_space<hbm>> -> memref<1x200x100xi32, #tpu.memory_space<hbm>>
      %dma_start3A_127 = tpu.memref_squeeze %dma_start3A_126 : memref<1x200x100xi32, #tpu.memory_space<hbm>> -> memref<200x100xi32, #tpu.memory_space<hbm>>
      tpu.enqueue_dma source(%dma_start3A_127 : memref<200x100xi32, #tpu.memory_space<hbm>>) target(%arg8 : memref<200x100xi32, #tpu.memory_space<vmem>>) target_semaphore(%run_scoped3A : memref<!tpu.dma_semaphore, #tpu.memory_space<semaphore_mem>>)
      %dma_wait3A_128 = arith.constant 0 : i32
      %dma_wait3A_129 = arith.constant 0 : i32
      %dma_wait3A_130 = tpu.memref_slice %arg4[%arg1, %dma_wait3A_128, %dma_wait3A_129] : memref<16x200x100xi32, #tpu.memory_space<hbm>> -> memref<1x200x100xi32, #tpu.memory_space<hbm>>
      %dma_wait3A_131 = tpu.memref_squeeze %dma_wait3A_130 : memref<1x200x100xi32, #tpu.memory_space<hbm>> -> memref<200x100xi32, #tpu.memory_space<hbm>>
      %dma_wait3A_132 = arith.constant 0 : i32
      %dma_wait3A_133 = arith.constant 0 : i32
      %dma_wait3A_134 = tpu.memref_slice %arg4[%arg1, %dma_wait3A_132, %dma_wait3A_133] : memref<16x200x100xi32, #tpu.memory_space<hbm>> -> memref<1x200x100xi32, #tpu.memory_space<hbm>>
      %dma_wait3A_135 = tpu.memref_squeeze %dma_wait3A_134 : memref<1x200x100xi32, #tpu.memory_space<hbm>> -> memref<200x100xi32, #tpu.memory_space<hbm>>
      tpu.wait_dma2 semaphore(%run_scoped3A : memref<!tpu.dma_semaphore, #tpu.memory_space<semaphore_mem>>) src(%dma_wait3A_135 : memref<200x100xi32, #tpu.memory_space<hbm>>) dst(%arg8 : memref<200x100xi32, #tpu.memory_space<vmem>>)
      tpu.yield
    }) : () -> ()
    %mul3A_1 = arith.constant 640 : i32
    %mul3A_2 = arith.muli %arg1, %mul3A_1 : i32
    "tpu.region"() ({
      %run_scoped3A = tpu.sem_alloc : memref<!tpu.dma_semaphore, #tpu.memory_space<semaphore_mem>>
      %dma_start3A_120 = arith.constant 0 : i32
      %dma_start3A_121 = tpu.memref_slice %arg13[%mul3A_2, %dma_start3A_120] : memref<10240x64xf32, #tpu.memory_space<vmem_shared>> -> memref<640x64xf32, #tpu.memory_space<vmem_shared>>
      %dma_start3A_122 = arith.constant 0 : i32
      %dma_start3A_123 = tpu.memref_slice %arg5[%mul3A_2, %dma_start3A_122] : memref<10240x64xf32, #tpu.memory_space<hbm>> -> memref<640x64xf32, #tpu.memory_space<hbm>>
      tpu.enqueue_dma source(%dma_start3A_123 : memref<640x64xf32, #tpu.memory_space<hbm>>) target(%dma_start3A_121 : memref<640x64xf32, #tpu.memory_space<vmem_shared>>) target_semaphore(%run_scoped3A : memref<!tpu.dma_semaphore, #tpu.memory_space<semaphore_mem>>)
      %dma_wait3A_124 = arith.constant 0 : i32
      %dma_wait3A_125 = tpu.memref_slice %arg13[%mul3A_2, %dma_wait3A_124] : memref<10240x64xf32, #tpu.memory_space<vmem_shared>> -> memref<640x64xf32, #tpu.memory_space<vmem_shared>>
      %dma_wait3A_126 = arith.constant 0 : i32
      %dma_wait3A_127 = tpu.memref_slice %arg5[%mul3A_2, %dma_wait3A_126] : memref<10240x64xf32, #tpu.memory_space<hbm>> -> memref<640x64xf32, #tpu.memory_space<hbm>>
      tpu.wait_dma2 semaphore(%run_scoped3A : memref<!tpu.dma_semaphore, #tpu.memory_space<semaphore_mem>>) src(%dma_wait3A_127 : memref<640x64xf32, #tpu.memory_space<hbm>>) dst(%dma_wait3A_125 : memref<640x64xf32, #tpu.memory_space<vmem_shared>>)
      tpu.yield
    }) : () -> ()
    %barrier3A = arith.constant 0 : index
    tpu.barrier barrier_id(%barrier3A)
    %dma_start3A = arith.constant 0 : i32
    %dma_start3A_3 = arith.constant 0 : i32
    %dma_start3A_4 = tpu.memref_slice %arg7[%dma_start3A, %dma_start3A_3] : memref<200x100xi32, #tpu.memory_space<vmem>> -> memref<1x100xi32, #tpu.memory_space<vmem>>
    %dma_start3A_5 = tpu.memref_squeeze %dma_start3A_4 : memref<1x100xi32, #tpu.memory_space<vmem>> -> memref<100xi32, #tpu.memory_space<vmem>>
    %dma_start3A_6 = arith.constant 0 : i32
    %dma_start3A_7 = arith.constant 0 : i32
    %dma_start3A_8 = tpu.memref_slice %arg2[%dma_start3A_6, %dma_start3A_7] : memref<20000x64xf32, #tpu.memory_space<hbm>> -> memref<20000x64xf32, #tpu.memory_space<hbm>>
    tpu.enqueue_indirect_dma source(%dma_start3A_8 : memref<20000x64xf32, #tpu.memory_space<hbm>>) target(%arg9 : memref<100x64xf32, #tpu.memory_space<vmem>>) offsets(%dma_start3A_5 : memref<100xi32, #tpu.memory_space<vmem>>) semaphore(%arg14 : memref<!tpu.dma_semaphore, #tpu.memory_space<semaphore_mem>>)
    %dma_start3A_9 = arith.constant 1 : i32
    %dma_start3A_10 = arith.constant 0 : i32
    %dma_start3A_11 = tpu.memref_slice %arg7[%dma_start3A_9, %dma_start3A_10] : memref<200x100xi32, #tpu.memory_space<vmem>> -> memref<1x100xi32, #tpu.memory_space<vmem>>
    %dma_start3A_12 = tpu.memref_squeeze %dma_start3A_11 : memref<1x100xi32, #tpu.memory_space<vmem>> -> memref<100xi32, #tpu.memory_space<vmem>>
    %dma_start3A_13 = arith.constant 0 : i32
    %dma_start3A_14 = arith.constant 0 : i32
    %dma_start3A_15 = tpu.memref_slice %arg2[%dma_start3A_13, %dma_start3A_14] : memref<20000x64xf32, #tpu.memory_space<hbm>> -> memref<20000x64xf32, #tpu.memory_space<hbm>>
    tpu.enqueue_indirect_dma source(%dma_start3A_15 : memref<20000x64xf32, #tpu.memory_space<hbm>>) target(%arg10 : memref<100x64xf32, #tpu.memory_space<vmem>>) offsets(%dma_start3A_12 : memref<100xi32, #tpu.memory_space<vmem>>) semaphore(%arg15 : memref<!tpu.dma_semaphore, #tpu.memory_space<semaphore_mem>>)
    %dma_start3A_16 = arith.constant 2 : i32
    %dma_start3A_17 = arith.constant 0 : i32
    %dma_start3A_18 = tpu.memref_slice %arg7[%dma_start3A_16, %dma_start3A_17] : memref<200x100xi32, #tpu.memory_space<vmem>> -> memref<1x100xi32, #tpu.memory_space<vmem>>
    %dma_start3A_19 = tpu.memref_squeeze %dma_start3A_18 : memref<1x100xi32, #tpu.memory_space<vmem>> -> memref<100xi32, #tpu.memory_space<vmem>>
    %dma_start3A_20 = arith.constant 0 : i32
    %dma_start3A_21 = arith.constant 0 : i32
    %dma_start3A_22 = tpu.memref_slice %arg2[%dma_start3A_20, %dma_start3A_21] : memref<20000x64xf32, #tpu.memory_space<hbm>> -> memref<20000x64xf32, #tpu.memory_space<hbm>>
    tpu.enqueue_indirect_dma source(%dma_start3A_22 : memref<20000x64xf32, #tpu.memory_space<hbm>>) target(%arg11 : memref<100x64xf32, #tpu.memory_space<vmem>>) offsets(%dma_start3A_19 : memref<100xi32, #tpu.memory_space<vmem>>) semaphore(%arg16 : memref<!tpu.dma_semaphore, #tpu.memory_space<semaphore_mem>>)
    %dma_start3A_23 = arith.constant 3 : i32
    %dma_start3A_24 = arith.constant 0 : i32
    %dma_start3A_25 = tpu.memref_slice %arg7[%dma_start3A_23, %dma_start3A_24] : memref<200x100xi32, #tpu.memory_space<vmem>> -> memref<1x100xi32, #tpu.memory_space<vmem>>
    %dma_start3A_26 = tpu.memref_squeeze %dma_start3A_25 : memref<1x100xi32, #tpu.memory_space<vmem>> -> memref<100xi32, #tpu.memory_space<vmem>>
    %dma_start3A_27 = arith.constant 0 : i32
    %dma_start3A_28 = arith.constant 0 : i32
    %dma_start3A_29 = tpu.memref_slice %arg2[%dma_start3A_27, %dma_start3A_28] : memref<20000x64xf32, #tpu.memory_space<hbm>> -> memref<20000x64xf32, #tpu.memory_space<hbm>>
    tpu.enqueue_indirect_dma source(%dma_start3A_29 : memref<20000x64xf32, #tpu.memory_space<hbm>>) target(%arg12 : memref<100x64xf32, #tpu.memory_space<vmem>>) offsets(%dma_start3A_26 : memref<100xi32, #tpu.memory_space<vmem>>) semaphore(%arg17 : memref<!tpu.dma_semaphore, #tpu.memory_space<semaphore_mem>>)
    %scan3A = arith.constant 0 : i32
    %scan3A_30 = arith.constant 49 : i32
    %scan3A_31 = arith.addi %scan3A, %scan3A_30 : i32
    %scan3A_32 = arith.constant 1 : i32
    scf.for %scan3A_120 = %scan3A to %scan3A_31 step %scan3A_32  : i32 {
      %mul3A_121 = arith.constant 4 : i32
      %mul3A_122 = arith.muli %scan3A_120, %mul3A_121 : i32
      %add3A_123 = arith.constant 0 : i32
      %add3A_124 = arith.addi %add3A_123, %mul3A_122 : i32
      %add3A_125 = arith.constant 0 : i32
      %add3A_126 = arith.addi %add3A_124, %add3A_125 : i32
      %dma_wait3A_127 = arith.constant 0 : i32
      %dma_wait3A_128 = tpu.memref_slice %arg7[%add3A_126, %dma_wait3A_127] : memref<200x100xi32, #tpu.memory_space<vmem>> -> memref<1x100xi32, #tpu.memory_space<vmem>>
      %dma_wait3A_129 = tpu.memref_squeeze %dma_wait3A_128 : memref<1x100xi32, #tpu.memory_space<vmem>> -> memref<100xi32, #tpu.memory_space<vmem>>
      %dma_wait3A_130 = arith.constant 0 : i32
      %dma_wait3A_131 = arith.constant 0 : i32
      %dma_wait3A_132 = tpu.memref_slice %arg2[%dma_wait3A_130, %dma_wait3A_131] : memref<20000x64xf32, #tpu.memory_space<hbm>> -> memref<20000x64xf32, #tpu.memory_space<hbm>>
      tpu.wait_indirect_dma semaphore(%arg14 : memref<!tpu.dma_semaphore, #tpu.memory_space<semaphore_mem>>) src(%dma_wait3A_132 : memref<20000x64xf32, #tpu.memory_space<hbm>>) dst(%arg9 : memref<100x64xf32, #tpu.memory_space<vmem>>)
      %add3A_133 = arith.constant 0 : i32
      %add3A_134 = arith.addi %add3A_124, %add3A_133 : i32
      %dma_start3A_135 = arith.constant 0 : i32
      %dma_start3A_136 = tpu.memref_slice %arg8[%add3A_134, %dma_start3A_135] : memref<200x100xi32, #tpu.memory_space<vmem>> -> memref<1x100xi32, #tpu.memory_space<vmem>>
      %dma_start3A_137 = tpu.memref_squeeze %dma_start3A_136 : memref<1x100xi32, #tpu.memory_space<vmem>> -> memref<100xi32, #tpu.memory_space<vmem>>
      %dma_start3A_138 = arith.constant 0 : i32
      %dma_start3A_139 = arith.constant 0 : i32
      %dma_start3A_140 = tpu.memref_slice %arg13[%dma_start3A_138, %dma_start3A_139] : memref<10240x64xf32, #tpu.memory_space<vmem_shared>> -> memref<10240x64xf32, #tpu.memory_space<vmem_shared>>
      tpu.enqueue_indirect_dma source(%arg9 : memref<100x64xf32, #tpu.memory_space<vmem>>) target(%dma_start3A_140 : memref<10240x64xf32, #tpu.memory_space<vmem_shared>>) offsets(%dma_start3A_137 : memref<100xi32, #tpu.memory_space<vmem>>) semaphore(%arg18 : memref<!tpu.dma_semaphore, #tpu.memory_space<semaphore_mem>>) {add = true}
      %add3A_141 = arith.constant 1 : i32
      %add3A_142 = arith.addi %add3A_124, %add3A_141 : i32
      %dma_wait3A_143 = arith.constant 0 : i32
      %dma_wait3A_144 = tpu.memref_slice %arg7[%add3A_142, %dma_wait3A_143] : memref<200x100xi32, #tpu.memory_space<vmem>> -> memref<1x100xi32, #tpu.memory_space<vmem>>
      %dma_wait3A_145 = tpu.memref_squeeze %dma_wait3A_144 : memref<1x100xi32, #tpu.memory_space<vmem>> -> memref<100xi32, #tpu.memory_space<vmem>>
      %dma_wait3A_146 = arith.constant 0 : i32
      %dma_wait3A_147 = arith.constant 0 : i32
      %dma_wait3A_148 = tpu.memref_slice %arg2[%dma_wait3A_146, %dma_wait3A_147] : memref<20000x64xf32, #tpu.memory_space<hbm>> -> memref<20000x64xf32, #tpu.memory_space<hbm>>
      tpu.wait_indirect_dma semaphore(%arg15 : memref<!tpu.dma_semaphore, #tpu.memory_space<semaphore_mem>>) src(%dma_wait3A_148 : memref<20000x64xf32, #tpu.memory_space<hbm>>) dst(%arg10 : memref<100x64xf32, #tpu.memory_space<vmem>>)
      %add3A_149 = arith.constant 1 : i32
      %add3A_150 = arith.addi %add3A_124, %add3A_149 : i32
      %dma_start3A_151 = arith.constant 0 : i32
      %dma_start3A_152 = tpu.memref_slice %arg8[%add3A_150, %dma_start3A_151] : memref<200x100xi32, #tpu.memory_space<vmem>> -> memref<1x100xi32, #tpu.memory_space<vmem>>
      %dma_start3A_153 = tpu.memref_squeeze %dma_start3A_152 : memref<1x100xi32, #tpu.memory_space<vmem>> -> memref<100xi32, #tpu.memory_space<vmem>>
      %dma_start3A_154 = arith.constant 0 : i32
      %dma_start3A_155 = arith.constant 0 : i32
      %dma_start3A_156 = tpu.memref_slice %arg13[%dma_start3A_154, %dma_start3A_155] : memref<10240x64xf32, #tpu.memory_space<vmem_shared>> -> memref<10240x64xf32, #tpu.memory_space<vmem_shared>>
      tpu.enqueue_indirect_dma source(%arg10 : memref<100x64xf32, #tpu.memory_space<vmem>>) target(%dma_start3A_156 : memref<10240x64xf32, #tpu.memory_space<vmem_shared>>) offsets(%dma_start3A_153 : memref<100xi32, #tpu.memory_space<vmem>>) semaphore(%arg19 : memref<!tpu.dma_semaphore, #tpu.memory_space<semaphore_mem>>) {add = true}
      %add3A_157 = arith.constant 2 : i32
      %add3A_158 = arith.addi %add3A_124, %add3A_157 : i32
      %dma_wait3A_159 = arith.constant 0 : i32
      %dma_wait3A_160 = tpu.memref_slice %arg7[%add3A_158, %dma_wait3A_159] : memref<200x100xi32, #tpu.memory_space<vmem>> -> memref<1x100xi32, #tpu.memory_space<vmem>>
      %dma_wait3A_161 = tpu.memref_squeeze %dma_wait3A_160 : memref<1x100xi32, #tpu.memory_space<vmem>> -> memref<100xi32, #tpu.memory_space<vmem>>
      %dma_wait3A_162 = arith.constant 0 : i32
      %dma_wait3A_163 = arith.constant 0 : i32
      %dma_wait3A_164 = tpu.memref_slice %arg2[%dma_wait3A_162, %dma_wait3A_163] : memref<20000x64xf32, #tpu.memory_space<hbm>> -> memref<20000x64xf32, #tpu.memory_space<hbm>>
      tpu.wait_indirect_dma semaphore(%arg16 : memref<!tpu.dma_semaphore, #tpu.memory_space<semaphore_mem>>) src(%dma_wait3A_164 : memref<20000x64xf32, #tpu.memory_space<hbm>>) dst(%arg11 : memref<100x64xf32, #tpu.memory_space<vmem>>)
      %add3A_165 = arith.constant 2 : i32
      %add3A_166 = arith.addi %add3A_124, %add3A_165 : i32
      %dma_start3A_167 = arith.constant 0 : i32
      %dma_start3A_168 = tpu.memref_slice %arg8[%add3A_166, %dma_start3A_167] : memref<200x100xi32, #tpu.memory_space<vmem>> -> memref<1x100xi32, #tpu.memory_space<vmem>>
      %dma_start3A_169 = tpu.memref_squeeze %dma_start3A_168 : memref<1x100xi32, #tpu.memory_space<vmem>> -> memref<100xi32, #tpu.memory_space<vmem>>
      %dma_start3A_170 = arith.constant 0 : i32
      %dma_start3A_171 = arith.constant 0 : i32
      %dma_start3A_172 = tpu.memref_slice %arg13[%dma_start3A_170, %dma_start3A_171] : memref<10240x64xf32, #tpu.memory_space<vmem_shared>> -> memref<10240x64xf32, #tpu.memory_space<vmem_shared>>
      tpu.enqueue_indirect_dma source(%arg11 : memref<100x64xf32, #tpu.memory_space<vmem>>) target(%dma_start3A_172 : memref<10240x64xf32, #tpu.memory_space<vmem_shared>>) offsets(%dma_start3A_169 : memref<100xi32, #tpu.memory_space<vmem>>) semaphore(%arg20 : memref<!tpu.dma_semaphore, #tpu.memory_space<semaphore_mem>>) {add = true}
      %add3A_173 = arith.constant 3 : i32
      %add3A_174 = arith.addi %add3A_124, %add3A_173 : i32
      %dma_wait3A_175 = arith.constant 0 : i32
      %dma_wait3A_176 = tpu.memref_slice %arg7[%add3A_174, %dma_wait3A_175] : memref<200x100xi32, #tpu.memory_space<vmem>> -> memref<1x100xi32, #tpu.memory_space<vmem>>
      %dma_wait3A_177 = tpu.memref_squeeze %dma_wait3A_176 : memref<1x100xi32, #tpu.memory_space<vmem>> -> memref<100xi32, #tpu.memory_space<vmem>>
      %dma_wait3A_178 = arith.constant 0 : i32
      %dma_wait3A_179 = arith.constant 0 : i32
      %dma_wait3A_180 = tpu.memref_slice %arg2[%dma_wait3A_178, %dma_wait3A_179] : memref<20000x64xf32, #tpu.memory_space<hbm>> -> memref<20000x64xf32, #tpu.memory_space<hbm>>
      tpu.wait_indirect_dma semaphore(%arg17 : memref<!tpu.dma_semaphore, #tpu.memory_space<semaphore_mem>>) src(%dma_wait3A_180 : memref<20000x64xf32, #tpu.memory_space<hbm>>) dst(%arg12 : memref<100x64xf32, #tpu.memory_space<vmem>>)
      %add3A_181 = arith.constant 3 : i32
      %add3A_182 = arith.addi %add3A_124, %add3A_181 : i32
      %dma_start3A_183 = arith.constant 0 : i32
      %dma_start3A_184 = tpu.memref_slice %arg8[%add3A_182, %dma_start3A_183] : memref<200x100xi32, #tpu.memory_space<vmem>> -> memref<1x100xi32, #tpu.memory_space<vmem>>
      %dma_start3A_185 = tpu.memref_squeeze %dma_start3A_184 : memref<1x100xi32, #tpu.memory_space<vmem>> -> memref<100xi32, #tpu.memory_space<vmem>>
      %dma_start3A_186 = arith.constant 0 : i32
      %dma_start3A_187 = arith.constant 0 : i32
      %dma_start3A_188 = tpu.memref_slice %arg13[%dma_start3A_186, %dma_start3A_187] : memref<10240x64xf32, #tpu.memory_space<vmem_shared>> -> memref<10240x64xf32, #tpu.memory_space<vmem_shared>>
      tpu.enqueue_indirect_dma source(%arg12 : memref<100x64xf32, #tpu.memory_space<vmem>>) target(%dma_start3A_188 : memref<10240x64xf32, #tpu.memory_space<vmem_shared>>) offsets(%dma_start3A_185 : memref<100xi32, #tpu.memory_space<vmem>>) semaphore(%arg21 : memref<!tpu.dma_semaphore, #tpu.memory_space<semaphore_mem>>) {add = true}
      %add3A_189 = arith.constant 0 : i32
      %add3A_190 = arith.addi %add3A_124, %add3A_189 : i32
      %dma_wait3A_191 = arith.constant 0 : i32
      %dma_wait3A_192 = tpu.memref_slice %arg8[%add3A_190, %dma_wait3A_191] : memref<200x100xi32, #tpu.memory_space<vmem>> -> memref<1x100xi32, #tpu.memory_space<vmem>>
      %dma_wait3A_193 = tpu.memref_squeeze %dma_wait3A_192 : memref<1x100xi32, #tpu.memory_space<vmem>> -> memref<100xi32, #tpu.memory_space<vmem>>
      %dma_wait3A_194 = arith.constant 0 : i32
      %dma_wait3A_195 = arith.constant 0 : i32
      %dma_wait3A_196 = tpu.memref_slice %arg13[%dma_wait3A_194, %dma_wait3A_195] : memref<10240x64xf32, #tpu.memory_space<vmem_shared>> -> memref<10240x64xf32, #tpu.memory_space<vmem_shared>>
      tpu.wait_indirect_dma semaphore(%arg18 : memref<!tpu.dma_semaphore, #tpu.memory_space<semaphore_mem>>) src(%arg9 : memref<100x64xf32, #tpu.memory_space<vmem>>) dst(%dma_wait3A_196 : memref<10240x64xf32, #tpu.memory_space<vmem_shared>>)
      %add3A_197 = arith.constant 4 : i32
      %add3A_198 = arith.addi %add3A_124, %add3A_197 : i32
      %add3A_199 = arith.constant 0 : i32
      %add3A_200 = arith.addi %add3A_198, %add3A_199 : i32
      %dma_start3A_201 = arith.constant 0 : i32
      %dma_start3A_202 = tpu.memref_slice %arg7[%add3A_200, %dma_start3A_201] : memref<200x100xi32, #tpu.memory_space<vmem>> -> memref<1x100xi32, #tpu.memory_space<vmem>>
      %dma_start3A_203 = tpu.memref_squeeze %dma_start3A_202 : memref<1x100xi32, #tpu.memory_space<vmem>> -> memref<100xi32, #tpu.memory_space<vmem>>
      %dma_start3A_204 = arith.constant 0 : i32
      %dma_start3A_205 = arith.constant 0 : i32
      %dma_start3A_206 = tpu.memref_slice %arg2[%dma_start3A_204, %dma_start3A_205] : memref<20000x64xf32, #tpu.memory_space<hbm>> -> memref<20000x64xf32, #tpu.memory_space<hbm>>
      tpu.enqueue_indirect_dma source(%dma_start3A_206 : memref<20000x64xf32, #tpu.memory_space<hbm>>) target(%arg9 : memref<100x64xf32, #tpu.memory_space<vmem>>) offsets(%dma_start3A_203 : memref<100xi32, #tpu.memory_space<vmem>>) semaphore(%arg14 : memref<!tpu.dma_semaphore, #tpu.memory_space<semaphore_mem>>)
      %add3A_207 = arith.constant 1 : i32
      %add3A_208 = arith.addi %add3A_124, %add3A_207 : i32
      %dma_wait3A_209 = arith.constant 0 : i32
      %dma_wait3A_210 = tpu.memref_slice %arg8[%add3A_208, %dma_wait3A_209] : memref<200x100xi32, #tpu.memory_space<vmem>> -> memref<1x100xi32, #tpu.memory_space<vmem>>
      %dma_wait3A_211 = tpu.memref_squeeze %dma_wait3A_210 : memref<1x100xi32, #tpu.memory_space<vmem>> -> memref<100xi32, #tpu.memory_space<vmem>>
      %dma_wait3A_212 = arith.constant 0 : i32
      %dma_wait3A_213 = arith.constant 0 : i32
      %dma_wait3A_214 = tpu.memref_slice %arg13[%dma_wait3A_212, %dma_wait3A_213] : memref<10240x64xf32, #tpu.memory_space<vmem_shared>> -> memref<10240x64xf32, #tpu.memory_space<vmem_shared>>
      tpu.wait_indirect_dma semaphore(%arg19 : memref<!tpu.dma_semaphore, #tpu.memory_space<semaphore_mem>>) src(%arg10 : memref<100x64xf32, #tpu.memory_space<vmem>>) dst(%dma_wait3A_214 : memref<10240x64xf32, #tpu.memory_space<vmem_shared>>)
      %add3A_215 = arith.constant 4 : i32
      %add3A_216 = arith.addi %add3A_124, %add3A_215 : i32
      %add3A_217 = arith.constant 1 : i32
      %add3A_218 = arith.addi %add3A_216, %add3A_217 : i32
      %dma_start3A_219 = arith.constant 0 : i32
      %dma_start3A_220 = tpu.memref_slice %arg7[%add3A_218, %dma_start3A_219] : memref<200x100xi32, #tpu.memory_space<vmem>> -> memref<1x100xi32, #tpu.memory_space<vmem>>
      %dma_start3A_221 = tpu.memref_squeeze %dma_start3A_220 : memref<1x100xi32, #tpu.memory_space<vmem>> -> memref<100xi32, #tpu.memory_space<vmem>>
      %dma_start3A_222 = arith.constant 0 : i32
      %dma_start3A_223 = arith.constant 0 : i32
      %dma_start3A_224 = tpu.memref_slice %arg2[%dma_start3A_222, %dma_start3A_223] : memref<20000x64xf32, #tpu.memory_space<hbm>> -> memref<20000x64xf32, #tpu.memory_space<hbm>>
      tpu.enqueue_indirect_dma source(%dma_start3A_224 : memref<20000x64xf32, #tpu.memory_space<hbm>>) target(%arg10 : memref<100x64xf32, #tpu.memory_space<vmem>>) offsets(%dma_start3A_221 : memref<100xi32, #tpu.memory_space<vmem>>) semaphore(%arg15 : memref<!tpu.dma_semaphore, #tpu.memory_space<semaphore_mem>>)
      %add3A_225 = arith.constant 2 : i32
      %add3A_226 = arith.addi %add3A_124, %add3A_225 : i32
      %dma_wait3A_227 = arith.constant 0 : i32
      %dma_wait3A_228 = tpu.memref_slice %arg8[%add3A_226, %dma_wait3A_227] : memref<200x100xi32, #tpu.memory_space<vmem>> -> memref<1x100xi32, #tpu.memory_space<vmem>>
      %dma_wait3A_229 = tpu.memref_squeeze %dma_wait3A_228 : memref<1x100xi32, #tpu.memory_space<vmem>> -> memref<100xi32, #tpu.memory_space<vmem>>
      %dma_wait3A_230 = arith.constant 0 : i32
      %dma_wait3A_231 = arith.constant 0 : i32
      %dma_wait3A_232 = tpu.memref_slice %arg13[%dma_wait3A_230, %dma_wait3A_231] : memref<10240x64xf32, #tpu.memory_space<vmem_shared>> -> memref<10240x64xf32, #tpu.memory_space<vmem_shared>>
      tpu.wait_indirect_dma semaphore(%arg20 : memref<!tpu.dma_semaphore, #tpu.memory_space<semaphore_mem>>) src(%arg11 : memref<100x64xf32, #tpu.memory_space<vmem>>) dst(%dma_wait3A_232 : memref<10240x64xf32, #tpu.memory_space<vmem_shared>>)
      %add3A_233 = arith.constant 4 : i32
      %add3A_234 = arith.addi %add3A_124, %add3A_233 : i32
      %add3A_235 = arith.constant 2 : i32
      %add3A_236 = arith.addi %add3A_234, %add3A_235 : i32
      %dma_start3A_237 = arith.constant 0 : i32
      %dma_start3A_238 = tpu.memref_slice %arg7[%add3A_236, %dma_start3A_237] : memref<200x100xi32, #tpu.memory_space<vmem>> -> memref<1x100xi32, #tpu.memory_space<vmem>>
      %dma_start3A_239 = tpu.memref_squeeze %dma_start3A_238 : memref<1x100xi32, #tpu.memory_space<vmem>> -> memref<100xi32, #tpu.memory_space<vmem>>
      %dma_start3A_240 = arith.constant 0 : i32
      %dma_start3A_241 = arith.constant 0 : i32
      %dma_start3A_242 = tpu.memref_slice %arg2[%dma_start3A_240, %dma_start3A_241] : memref<20000x64xf32, #tpu.memory_space<hbm>> -> memref<20000x64xf32, #tpu.memory_space<hbm>>
      tpu.enqueue_indirect_dma source(%dma_start3A_242 : memref<20000x64xf32, #tpu.memory_space<hbm>>) target(%arg11 : memref<100x64xf32, #tpu.memory_space<vmem>>) offsets(%dma_start3A_239 : memref<100xi32, #tpu.memory_space<vmem>>) semaphore(%arg16 : memref<!tpu.dma_semaphore, #tpu.memory_space<semaphore_mem>>)
      %add3A_243 = arith.constant 3 : i32
      %add3A_244 = arith.addi %add3A_124, %add3A_243 : i32
      %dma_wait3A_245 = arith.constant 0 : i32
      %dma_wait3A_246 = tpu.memref_slice %arg8[%add3A_244, %dma_wait3A_245] : memref<200x100xi32, #tpu.memory_space<vmem>> -> memref<1x100xi32, #tpu.memory_space<vmem>>
      %dma_wait3A_247 = tpu.memref_squeeze %dma_wait3A_246 : memref<1x100xi32, #tpu.memory_space<vmem>> -> memref<100xi32, #tpu.memory_space<vmem>>
      %dma_wait3A_248 = arith.constant 0 : i32
      %dma_wait3A_249 = arith.constant 0 : i32
      %dma_wait3A_250 = tpu.memref_slice %arg13[%dma_wait3A_248, %dma_wait3A_249] : memref<10240x64xf32, #tpu.memory_space<vmem_shared>> -> memref<10240x64xf32, #tpu.memory_space<vmem_shared>>
      tpu.wait_indirect_dma semaphore(%arg21 : memref<!tpu.dma_semaphore, #tpu.memory_space<semaphore_mem>>) src(%arg12 : memref<100x64xf32, #tpu.memory_space<vmem>>) dst(%dma_wait3A_250 : memref<10240x64xf32, #tpu.memory_space<vmem_shared>>)
      %add3A_251 = arith.constant 4 : i32
      %add3A_252 = arith.addi %add3A_124, %add3A_251 : i32
      %add3A_253 = arith.constant 3 : i32
      %add3A_254 = arith.addi %add3A_252, %add3A_253 : i32
      %dma_start3A_255 = arith.constant 0 : i32
      %dma_start3A_256 = tpu.memref_slice %arg7[%add3A_254, %dma_start3A_255] : memref<200x100xi32, #tpu.memory_space<vmem>> -> memref<1x100xi32, #tpu.memory_space<vmem>>
      %dma_start3A_257 = tpu.memref_squeeze %dma_start3A_256 : memref<1x100xi32, #tpu.memory_space<vmem>> -> memref<100xi32, #tpu.memory_space<vmem>>
      %dma_start3A_258 = arith.constant 0 : i32
      %dma_start3A_259 = arith.constant 0 : i32
      %dma_start3A_260 = tpu.memref_slice %arg2[%dma_start3A_258, %dma_start3A_259] : memref<20000x64xf32, #tpu.memory_space<hbm>> -> memref<20000x64xf32, #tpu.memory_space<hbm>>
      tpu.enqueue_indirect_dma source(%dma_start3A_260 : memref<20000x64xf32, #tpu.memory_space<hbm>>) target(%arg12 : memref<100x64xf32, #tpu.memory_space<vmem>>) offsets(%dma_start3A_257 : memref<100xi32, #tpu.memory_space<vmem>>) semaphore(%arg17 : memref<!tpu.dma_semaphore, #tpu.memory_space<semaphore_mem>>)
    }
    %scan3A_33 = arith.constant 49 : i32
    %dma_wait3A = arith.constant 196 : i32
    %dma_wait3A_34 = arith.constant 0 : i32
    %dma_wait3A_35 = tpu.memref_slice %arg7[%dma_wait3A, %dma_wait3A_34] : memref<200x100xi32, #tpu.memory_space<vmem>> -> memref<1x100xi32, #tpu.memory_space<vmem>>
    %dma_wait3A_36 = tpu.memref_squeeze %dma_wait3A_35 : memref<1x100xi32, #tpu.memory_space<vmem>> -> memref<100xi32, #tpu.memory_space<vmem>>
    %dma_wait3A_37 = arith.constant 0 : i32
    %dma_wait3A_38 = arith.constant 0 : i32
    %dma_wait3A_39 = tpu.memref_slice %arg2[%dma_wait3A_37, %dma_wait3A_38] : memref<20000x64xf32, #tpu.memory_space<hbm>> -> memref<20000x64xf32, #tpu.memory_space<hbm>>
    tpu.wait_indirect_dma semaphore(%arg14 : memref<!tpu.dma_semaphore, #tpu.memory_space<semaphore_mem>>) src(%dma_wait3A_39 : memref<20000x64xf32, #tpu.memory_space<hbm>>) dst(%arg9 : memref<100x64xf32, #tpu.memory_space<vmem>>)
    %dma_start3A_40 = arith.constant 196 : i32
    %dma_start3A_41 = arith.constant 0 : i32
    %dma_start3A_42 = tpu.memref_slice %arg8[%dma_start3A_40, %dma_start3A_41] : memref<200x100xi32, #tpu.memory_space<vmem>> -> memref<1x100xi32, #tpu.memory_space<vmem>>
    %dma_start3A_43 = tpu.memref_squeeze %dma_start3A_42 : memref<1x100xi32, #tpu.memory_space<vmem>> -> memref<100xi32, #tpu.memory_space<vmem>>
    %dma_start3A_44 = arith.constant 0 : i32
    %dma_start3A_45 = arith.constant 0 : i32
    %dma_start3A_46 = tpu.memref_slice %arg13[%dma_start3A_44, %dma_start3A_45] : memref<10240x64xf32, #tpu.memory_space<vmem_shared>> -> memref<10240x64xf32, #tpu.memory_space<vmem_shared>>
    tpu.enqueue_indirect_dma source(%arg9 : memref<100x64xf32, #tpu.memory_space<vmem>>) target(%dma_start3A_46 : memref<10240x64xf32, #tpu.memory_space<vmem_shared>>) offsets(%dma_start3A_43 : memref<100xi32, #tpu.memory_space<vmem>>) semaphore(%arg18 : memref<!tpu.dma_semaphore, #tpu.memory_space<semaphore_mem>>) {add = true}
    %dma_wait3A_47 = arith.constant 197 : i32
    %dma_wait3A_48 = arith.constant 0 : i32
    %dma_wait3A_49 = tpu.memref_slice %arg7[%dma_wait3A_47, %dma_wait3A_48] : memref<200x100xi32, #tpu.memory_space<vmem>> -> memref<1x100xi32, #tpu.memory_space<vmem>>
    %dma_wait3A_50 = tpu.memref_squeeze %dma_wait3A_49 : memref<1x100xi32, #tpu.memory_space<vmem>> -> memref<100xi32, #tpu.memory_space<vmem>>
    %dma_wait3A_51 = arith.constant 0 : i32
    %dma_wait3A_52 = arith.constant 0 : i32
    %dma_wait3A_53 = tpu.memref_slice %arg2[%dma_wait3A_51, %dma_wait3A_52] : memref<20000x64xf32, #tpu.memory_space<hbm>> -> memref<20000x64xf32, #tpu.memory_space<hbm>>
    tpu.wait_indirect_dma semaphore(%arg15 : memref<!tpu.dma_semaphore, #tpu.memory_space<semaphore_mem>>) src(%dma_wait3A_53 : memref<20000x64xf32, #tpu.memory_space<hbm>>) dst(%arg10 : memref<100x64xf32, #tpu.memory_space<vmem>>)
    %dma_start3A_54 = arith.constant 197 : i32
    %dma_start3A_55 = arith.constant 0 : i32
    %dma_start3A_56 = tpu.memref_slice %arg8[%dma_start3A_54, %dma_start3A_55] : memref<200x100xi32, #tpu.memory_space<vmem>> -> memref<1x100xi32, #tpu.memory_space<vmem>>
    %dma_start3A_57 = tpu.memref_squeeze %dma_start3A_56 : memref<1x100xi32, #tpu.memory_space<vmem>> -> memref<100xi32, #tpu.memory_space<vmem>>
    %dma_start3A_58 = arith.constant 0 : i32
    %dma_start3A_59 = arith.constant 0 : i32
    %dma_start3A_60 = tpu.memref_slice %arg13[%dma_start3A_58, %dma_start3A_59] : memref<10240x64xf32, #tpu.memory_space<vmem_shared>> -> memref<10240x64xf32, #tpu.memory_space<vmem_shared>>
    tpu.enqueue_indirect_dma source(%arg10 : memref<100x64xf32, #tpu.memory_space<vmem>>) target(%dma_start3A_60 : memref<10240x64xf32, #tpu.memory_space<vmem_shared>>) offsets(%dma_start3A_57 : memref<100xi32, #tpu.memory_space<vmem>>) semaphore(%arg19 : memref<!tpu.dma_semaphore, #tpu.memory_space<semaphore_mem>>) {add = true}
    %dma_wait3A_61 = arith.constant 198 : i32
    %dma_wait3A_62 = arith.constant 0 : i32
    %dma_wait3A_63 = tpu.memref_slice %arg7[%dma_wait3A_61, %dma_wait3A_62] : memref<200x100xi32, #tpu.memory_space<vmem>> -> memref<1x100xi32, #tpu.memory_space<vmem>>
    %dma_wait3A_64 = tpu.memref_squeeze %dma_wait3A_63 : memref<1x100xi32, #tpu.memory_space<vmem>> -> memref<100xi32, #tpu.memory_space<vmem>>
    %dma_wait3A_65 = arith.constant 0 : i32
    %dma_wait3A_66 = arith.constant 0 : i32
    %dma_wait3A_67 = tpu.memref_slice %arg2[%dma_wait3A_65, %dma_wait3A_66] : memref<20000x64xf32, #tpu.memory_space<hbm>> -> memref<20000x64xf32, #tpu.memory_space<hbm>>
    tpu.wait_indirect_dma semaphore(%arg16 : memref<!tpu.dma_semaphore, #tpu.memory_space<semaphore_mem>>) src(%dma_wait3A_67 : memref<20000x64xf32, #tpu.memory_space<hbm>>) dst(%arg11 : memref<100x64xf32, #tpu.memory_space<vmem>>)
    %dma_start3A_68 = arith.constant 198 : i32
    %dma_start3A_69 = arith.constant 0 : i32
    %dma_start3A_70 = tpu.memref_slice %arg8[%dma_start3A_68, %dma_start3A_69] : memref<200x100xi32, #tpu.memory_space<vmem>> -> memref<1x100xi32, #tpu.memory_space<vmem>>
    %dma_start3A_71 = tpu.memref_squeeze %dma_start3A_70 : memref<1x100xi32, #tpu.memory_space<vmem>> -> memref<100xi32, #tpu.memory_space<vmem>>
    %dma_start3A_72 = arith.constant 0 : i32
    %dma_start3A_73 = arith.constant 0 : i32
    %dma_start3A_74 = tpu.memref_slice %arg13[%dma_start3A_72, %dma_start3A_73] : memref<10240x64xf32, #tpu.memory_space<vmem_shared>> -> memref<10240x64xf32, #tpu.memory_space<vmem_shared>>
    tpu.enqueue_indirect_dma source(%arg11 : memref<100x64xf32, #tpu.memory_space<vmem>>) target(%dma_start3A_74 : memref<10240x64xf32, #tpu.memory_space<vmem_shared>>) offsets(%dma_start3A_71 : memref<100xi32, #tpu.memory_space<vmem>>) semaphore(%arg20 : memref<!tpu.dma_semaphore, #tpu.memory_space<semaphore_mem>>) {add = true}
    %dma_wait3A_75 = arith.constant 199 : i32
    %dma_wait3A_76 = arith.constant 0 : i32
    %dma_wait3A_77 = tpu.memref_slice %arg7[%dma_wait3A_75, %dma_wait3A_76] : memref<200x100xi32, #tpu.memory_space<vmem>> -> memref<1x100xi32, #tpu.memory_space<vmem>>
    %dma_wait3A_78 = tpu.memref_squeeze %dma_wait3A_77 : memref<1x100xi32, #tpu.memory_space<vmem>> -> memref<100xi32, #tpu.memory_space<vmem>>
    %dma_wait3A_79 = arith.constant 0 : i32
    %dma_wait3A_80 = arith.constant 0 : i32
    %dma_wait3A_81 = tpu.memref_slice %arg2[%dma_wait3A_79, %dma_wait3A_80] : memref<20000x64xf32, #tpu.memory_space<hbm>> -> memref<20000x64xf32, #tpu.memory_space<hbm>>
    tpu.wait_indirect_dma semaphore(%arg17 : memref<!tpu.dma_semaphore, #tpu.memory_space<semaphore_mem>>) src(%dma_wait3A_81 : memref<20000x64xf32, #tpu.memory_space<hbm>>) dst(%arg12 : memref<100x64xf32, #tpu.memory_space<vmem>>)
    %dma_start3A_82 = arith.constant 199 : i32
    %dma_start3A_83 = arith.constant 0 : i32
    %dma_start3A_84 = tpu.memref_slice %arg8[%dma_start3A_82, %dma_start3A_83] : memref<200x100xi32, #tpu.memory_space<vmem>> -> memref<1x100xi32, #tpu.memory_space<vmem>>
    %dma_start3A_85 = tpu.memref_squeeze %dma_start3A_84 : memref<1x100xi32, #tpu.memory_space<vmem>> -> memref<100xi32, #tpu.memory_space<vmem>>
    %dma_start3A_86 = arith.constant 0 : i32
    %dma_start3A_87 = arith.constant 0 : i32
    %dma_start3A_88 = tpu.memref_slice %arg13[%dma_start3A_86, %dma_start3A_87] : memref<10240x64xf32, #tpu.memory_space<vmem_shared>> -> memref<10240x64xf32, #tpu.memory_space<vmem_shared>>
    tpu.enqueue_indirect_dma source(%arg12 : memref<100x64xf32, #tpu.memory_space<vmem>>) target(%dma_start3A_88 : memref<10240x64xf32, #tpu.memory_space<vmem_shared>>) offsets(%dma_start3A_85 : memref<100xi32, #tpu.memory_space<vmem>>) semaphore(%arg21 : memref<!tpu.dma_semaphore, #tpu.memory_space<semaphore_mem>>) {add = true}
    %dma_wait3A_89 = arith.constant 196 : i32
    %dma_wait3A_90 = arith.constant 0 : i32
    %dma_wait3A_91 = tpu.memref_slice %arg8[%dma_wait3A_89, %dma_wait3A_90] : memref<200x100xi32, #tpu.memory_space<vmem>> -> memref<1x100xi32, #tpu.memory_space<vmem>>
    %dma_wait3A_92 = tpu.memref_squeeze %dma_wait3A_91 : memref<1x100xi32, #tpu.memory_space<vmem>> -> memref<100xi32, #tpu.memory_space<vmem>>
    %dma_wait3A_93 = arith.constant 0 : i32
    %dma_wait3A_94 = arith.constant 0 : i32
    %dma_wait3A_95 = tpu.memref_slice %arg13[%dma_wait3A_93, %dma_wait3A_94] : memref<10240x64xf32, #tpu.memory_space<vmem_shared>> -> memref<10240x64xf32, #tpu.memory_space<vmem_shared>>
    tpu.wait_indirect_dma semaphore(%arg18 : memref<!tpu.dma_semaphore, #tpu.memory_space<semaphore_mem>>) src(%arg9 : memref<100x64xf32, #tpu.memory_space<vmem>>) dst(%dma_wait3A_95 : memref<10240x64xf32, #tpu.memory_space<vmem_shared>>)
    %dma_wait3A_96 = arith.constant 197 : i32
    %dma_wait3A_97 = arith.constant 0 : i32
    %dma_wait3A_98 = tpu.memref_slice %arg8[%dma_wait3A_96, %dma_wait3A_97] : memref<200x100xi32, #tpu.memory_space<vmem>> -> memref<1x100xi32, #tpu.memory_space<vmem>>
    %dma_wait3A_99 = tpu.memref_squeeze %dma_wait3A_98 : memref<1x100xi32, #tpu.memory_space<vmem>> -> memref<100xi32, #tpu.memory_space<vmem>>
    %dma_wait3A_100 = arith.constant 0 : i32
    %dma_wait3A_101 = arith.constant 0 : i32
    %dma_wait3A_102 = tpu.memref_slice %arg13[%dma_wait3A_100, %dma_wait3A_101] : memref<10240x64xf32, #tpu.memory_space<vmem_shared>> -> memref<10240x64xf32, #tpu.memory_space<vmem_shared>>
    tpu.wait_indirect_dma semaphore(%arg19 : memref<!tpu.dma_semaphore, #tpu.memory_space<semaphore_mem>>) src(%arg10 : memref<100x64xf32, #tpu.memory_space<vmem>>) dst(%dma_wait3A_102 : memref<10240x64xf32, #tpu.memory_space<vmem_shared>>)
    %dma_wait3A_103 = arith.constant 198 : i32
    %dma_wait3A_104 = arith.constant 0 : i32
    %dma_wait3A_105 = tpu.memref_slice %arg8[%dma_wait3A_103, %dma_wait3A_104] : memref<200x100xi32, #tpu.memory_space<vmem>> -> memref<1x100xi32, #tpu.memory_space<vmem>>
    %dma_wait3A_106 = tpu.memref_squeeze %dma_wait3A_105 : memref<1x100xi32, #tpu.memory_space<vmem>> -> memref<100xi32, #tpu.memory_space<vmem>>
    %dma_wait3A_107 = arith.constant 0 : i32
    %dma_wait3A_108 = arith.constant 0 : i32
    %dma_wait3A_109 = tpu.memref_slice %arg13[%dma_wait3A_107, %dma_wait3A_108] : memref<10240x64xf32, #tpu.memory_space<vmem_shared>> -> memref<10240x64xf32, #tpu.memory_space<vmem_shared>>
    tpu.wait_indirect_dma semaphore(%arg20 : memref<!tpu.dma_semaphore, #tpu.memory_space<semaphore_mem>>) src(%arg11 : memref<100x64xf32, #tpu.memory_space<vmem>>) dst(%dma_wait3A_109 : memref<10240x64xf32, #tpu.memory_space<vmem_shared>>)
    %dma_wait3A_110 = arith.constant 199 : i32
    %dma_wait3A_111 = arith.constant 0 : i32
    %dma_wait3A_112 = tpu.memref_slice %arg8[%dma_wait3A_110, %dma_wait3A_111] : memref<200x100xi32, #tpu.memory_space<vmem>> -> memref<1x100xi32, #tpu.memory_space<vmem>>
    %dma_wait3A_113 = tpu.memref_squeeze %dma_wait3A_112 : memref<1x100xi32, #tpu.memory_space<vmem>> -> memref<100xi32, #tpu.memory_space<vmem>>
    %dma_wait3A_114 = arith.constant 0 : i32
    %dma_wait3A_115 = arith.constant 0 : i32
    %dma_wait3A_116 = tpu.memref_slice %arg13[%dma_wait3A_114, %dma_wait3A_115] : memref<10240x64xf32, #tpu.memory_space<vmem_shared>> -> memref<10240x64xf32, #tpu.memory_space<vmem_shared>>
    tpu.wait_indirect_dma semaphore(%arg21 : memref<!tpu.dma_semaphore, #tpu.memory_space<semaphore_mem>>) src(%arg12 : memref<100x64xf32, #tpu.memory_space<vmem>>) dst(%dma_wait3A_116 : memref<10240x64xf32, #tpu.memory_space<vmem_shared>>)
    %barrier3A_117 = arith.constant 0 : index
    tpu.barrier barrier_id(%barrier3A_117)
    %mul3A_118 = arith.constant 64 : i32
    %mul3A_119 = arith.muli %arg0, %mul3A_118 : i32
    "tpu.region"() ({
      %run_scoped3A = tpu.sem_alloc : memref<!tpu.dma_semaphore, #tpu.memory_space<semaphore_mem>>
      %dma_start3A_120 = tpu.memref_slice %arg6[%mul3A_2, %mul3A_119] : memref<10240x128xf32, #tpu.memory_space<hbm>> -> memref<640x64xf32, #tpu.memory_space<hbm>>
      %dma_start3A_121 = arith.constant 0 : i32
      %dma_start3A_122 = tpu.memref_slice %arg13[%mul3A_2, %dma_start3A_121] : memref<10240x64xf32, #tpu.memory_space<vmem_shared>> -> memref<640x64xf32, #tpu.memory_space<vmem_shared>>
      tpu.enqueue_dma source(%dma_start3A_122 : memref<640x64xf32, #tpu.memory_space<vmem_shared>>) target(%dma_start3A_120 : memref<640x64xf32, #tpu.memory_space<hbm>>) target_semaphore(%run_scoped3A : memref<!tpu.dma_semaphore, #tpu.memory_space<semaphore_mem>>)
      %dma_wait3A_123 = tpu.memref_slice %arg6[%mul3A_2, %mul3A_119] : memref<10240x128xf32, #tpu.memory_space<hbm>> -> memref<640x64xf32, #tpu.memory_space<hbm>>
      %dma_wait3A_124 = arith.constant 0 : i32
      %dma_wait3A_125 = tpu.memref_slice %arg13[%mul3A_2, %dma_wait3A_124] : memref<10240x64xf32, #tpu.memory_space<vmem_shared>> -> memref<640x64xf32, #tpu.memory_space<vmem_shared>>
      tpu.wait_dma2 semaphore(%run_scoped3A : memref<!tpu.dma_semaphore, #tpu.memory_space<semaphore_mem>>) src(%dma_wait3A_125 : memref<640x64xf32, #tpu.memory_space<vmem_shared>>) dst(%dma_wait3A_123 : memref<640x64xf32, #tpu.memory_space<hbm>>)
      tpu.yield
    }) : () -> ()
    return
  }
}

#map = affine_map<(d0, d1) -> (0, 0)>
#map1 = affine_map<(d0, d1) -> (0, 0, 0)>
module attributes {stable_mosaic.version = 14 : i64} {
  func.func @_sc_edge(%arg0: i32, %arg1: i32, %arg2: memref<20000x64xf32, #tpu.memory_space<hbm>>, %arg3: memref<32x200x100xi32, #tpu.memory_space<hbm>>, %arg4: memref<16x200x100xi32, #tpu.memory_space<hbm>>, %arg5: memref<10240x64xf32, #tpu.memory_space<hbm>>, %arg6: memref<10240x128xf32, #tpu.memory_space<hbm>>, %arg7: memref<200x100xi32, #tpu.memory_space<vmem>>, %arg8: memref<200x100xi32, #tpu.memory_space<vmem>>, %arg9: memref<100x64xf32, #tpu.memory_space<vmem>>, %arg10: memref<100x64xf32, #tpu.memory_space<vmem>>, %arg11: memref<100x64xf32, #tpu.memory_space<vmem>>, %arg12: memref<100x64xf32, #tpu.memory_space<vmem>>, %arg13: memref<10240x64xf32, #tpu.memory_space<vmem_shared>>, %arg14: memref<!tpu.dma_semaphore, #tpu.memory_space<semaphore_mem>>, %arg15: memref<!tpu.dma_semaphore, #tpu.memory_space<semaphore_mem>>, %arg16: memref<!tpu.dma_semaphore, #tpu.memory_space<semaphore_mem>>, %arg17: memref<!tpu.dma_semaphore, #tpu.memory_space<semaphore_mem>>, %arg18: memref<!tpu.dma_semaphore, #tpu.memory_space<semaphore_mem>>, %arg19: memref<!tpu.dma_semaphore, #tpu.memory_space<semaphore_mem>>, %arg20: memref<!tpu.dma_semaphore, #tpu.memory_space<semaphore_mem>>, %arg21: memref<!tpu.dma_semaphore, #tpu.memory_space<semaphore_mem>>) attributes {dimension_semantics = [#tpu.dimension_semantics<core_parallel>, #tpu.dimension_semantics<subcore_parallel>], iteration_bounds = array<i64: 2, 16>, scalar_prefetch = 0 : i64, scratch_operands = 15 : i64, tpu.core_type = #tpu.core_type<sc_vector_subcore>, window_params = [{transform_indices = #map}, {transform_indices = #map1}, {transform_indices = #map1}, {transform_indices = #map}, {transform_indices = #map}]} {
    %mul3A = arith.constant 16 : i32
    %mul3A_0 = arith.muli %arg0, %mul3A : i32
    %add3A = arith.addi %mul3A_0, %arg1 : i32
    "tpu.region"() ({
      %run_scoped3A = tpu.sem_alloc : memref<!tpu.dma_semaphore, #tpu.memory_space<semaphore_mem>>
      %dma_start3A_120 = arith.constant 0 : i32
      %dma_start3A_121 = arith.constant 0 : i32
      %dma_start3A_122 = tpu.memref_slice %arg3[%add3A, %dma_start3A_120, %dma_start3A_121] : memref<32x200x100xi32, #tpu.memory_space<hbm>> -> memref<1x200x100xi32, #tpu.memory_space<hbm>>
      %dma_start3A_123 = tpu.memref_squeeze %dma_start3A_122 : memref<1x200x100xi32, #tpu.memory_space<hbm>> -> memref<200x100xi32, #tpu.memory_space<hbm>>
      %dma_start3A_124 = arith.constant 0 : i32
      %dma_start3A_125 = arith.constant 0 : i32
      %dma_start3A_126 = tpu.memref_slice %arg3[%add3A, %dma_start3A_124, %dma_start3A_125] : memref<32x200x100xi32, #tpu.memory_space<hbm>> -> memref<1x200x100xi32, #tpu.memory_space<hbm>>
      %dma_start3A_127 = tpu.memref_squeeze %dma_start3A_126 : memref<1x200x100xi32, #tpu.memory_space<hbm>> -> memref<200x100xi32, #tpu.memory_space<hbm>>
      tpu.enqueue_dma source(%dma_start3A_127 : memref<200x100xi32, #tpu.memory_space<hbm>>) target(%arg7 : memref<200x100xi32, #tpu.memory_space<vmem>>) target_semaphore(%run_scoped3A : memref<!tpu.dma_semaphore, #tpu.memory_space<semaphore_mem>>)
      %dma_wait3A_128 = arith.constant 0 : i32
      %dma_wait3A_129 = arith.constant 0 : i32
      %dma_wait3A_130 = tpu.memref_slice %arg3[%add3A, %dma_wait3A_128, %dma_wait3A_129] : memref<32x200x100xi32, #tpu.memory_space<hbm>> -> memref<1x200x100xi32, #tpu.memory_space<hbm>>
      %dma_wait3A_131 = tpu.memref_squeeze %dma_wait3A_130 : memref<1x200x100xi32, #tpu.memory_space<hbm>> -> memref<200x100xi32, #tpu.memory_space<hbm>>
      %dma_wait3A_132 = arith.constant 0 : i32
      %dma_wait3A_133 = arith.constant 0 : i32
      %dma_wait3A_134 = tpu.memref_slice %arg3[%add3A, %dma_wait3A_132, %dma_wait3A_133] : memref<32x200x100xi32, #tpu.memory_space<hbm>> -> memref<1x200x100xi32, #tpu.memory_space<hbm>>
      %dma_wait3A_135 = tpu.memref_squeeze %dma_wait3A_134 : memref<1x200x100xi32, #tpu.memory_space<hbm>> -> memref<200x100xi32, #tpu.memory_space<hbm>>
      tpu.wait_dma2 semaphore(%run_scoped3A : memref<!tpu.dma_semaphore, #tpu.memory_space<semaphore_mem>>) src(%dma_wait3A_135 : memref<200x100xi32, #tpu.memory_space<hbm>>) dst(%arg7 : memref<200x100xi32, #tpu.memory_space<vmem>>)
      tpu.yield
    }) : () -> ()
    "tpu.region"() ({
      %run_scoped3A = tpu.sem_alloc : memref<!tpu.dma_semaphore, #tpu.memory_space<semaphore_mem>>
      %dma_start3A_120 = arith.constant 0 : i32
      %dma_start3A_121 = arith.constant 0 : i32
      %dma_start3A_122 = tpu.memref_slice %arg4[%arg1, %dma_start3A_120, %dma_start3A_121] : memref<16x200x100xi32, #tpu.memory_space<hbm>> -> memref<1x200x100xi32, #tpu.memory_space<hbm>>
      %dma_start3A_123 = tpu.memref_squeeze %dma_start3A_122 : memref<1x200x100xi32, #tpu.memory_space<hbm>> -> memref<200x100xi32, #tpu.memory_space<hbm>>
      %dma_start3A_124 = arith.constant 0 : i32
      %dma_start3A_125 = arith.constant 0 : i32
      %dma_start3A_126 = tpu.memref_slice %arg4[%arg1, %dma_start3A_124, %dma_start3A_125] : memref<16x200x100xi32, #tpu.memory_space<hbm>> -> memref<1x200x100xi32, #tpu.memory_space<hbm>>
      %dma_start3A_127 = tpu.memref_squeeze %dma_start3A_126 : memref<1x200x100xi32, #tpu.memory_space<hbm>> -> memref<200x100xi32, #tpu.memory_space<hbm>>
      tpu.enqueue_dma source(%dma_start3A_127 : memref<200x100xi32, #tpu.memory_space<hbm>>) target(%arg8 : memref<200x100xi32, #tpu.memory_space<vmem>>) target_semaphore(%run_scoped3A : memref<!tpu.dma_semaphore, #tpu.memory_space<semaphore_mem>>)
      %dma_wait3A_128 = arith.constant 0 : i32
      %dma_wait3A_129 = arith.constant 0 : i32
      %dma_wait3A_130 = tpu.memref_slice %arg4[%arg1, %dma_wait3A_128, %dma_wait3A_129] : memref<16x200x100xi32, #tpu.memory_space<hbm>> -> memref<1x200x100xi32, #tpu.memory_space<hbm>>
      %dma_wait3A_131 = tpu.memref_squeeze %dma_wait3A_130 : memref<1x200x100xi32, #tpu.memory_space<hbm>> -> memref<200x100xi32, #tpu.memory_space<hbm>>
      %dma_wait3A_132 = arith.constant 0 : i32
      %dma_wait3A_133 = arith.constant 0 : i32
      %dma_wait3A_134 = tpu.memref_slice %arg4[%arg1, %dma_wait3A_132, %dma_wait3A_133] : memref<16x200x100xi32, #tpu.memory_space<hbm>> -> memref<1x200x100xi32, #tpu.memory_space<hbm>>
      %dma_wait3A_135 = tpu.memref_squeeze %dma_wait3A_134 : memref<1x200x100xi32, #tpu.memory_space<hbm>> -> memref<200x100xi32, #tpu.memory_space<hbm>>
      tpu.wait_dma2 semaphore(%run_scoped3A : memref<!tpu.dma_semaphore, #tpu.memory_space<semaphore_mem>>) src(%dma_wait3A_135 : memref<200x100xi32, #tpu.memory_space<hbm>>) dst(%arg8 : memref<200x100xi32, #tpu.memory_space<vmem>>)
      tpu.yield
    }) : () -> ()
    %mul3A_1 = arith.constant 640 : i32
    %mul3A_2 = arith.muli %arg1, %mul3A_1 : i32
    "tpu.region"() ({
      %run_scoped3A = tpu.sem_alloc : memref<!tpu.dma_semaphore, #tpu.memory_space<semaphore_mem>>
      %dma_start3A_120 = arith.constant 0 : i32
      %dma_start3A_121 = tpu.memref_slice %arg13[%mul3A_2, %dma_start3A_120] : memref<10240x64xf32, #tpu.memory_space<vmem_shared>> -> memref<640x64xf32, #tpu.memory_space<vmem_shared>>
      %dma_start3A_122 = arith.constant 0 : i32
      %dma_start3A_123 = tpu.memref_slice %arg5[%mul3A_2, %dma_start3A_122] : memref<10240x64xf32, #tpu.memory_space<hbm>> -> memref<640x64xf32, #tpu.memory_space<hbm>>
      tpu.enqueue_dma source(%dma_start3A_123 : memref<640x64xf32, #tpu.memory_space<hbm>>) target(%dma_start3A_121 : memref<640x64xf32, #tpu.memory_space<vmem_shared>>) target_semaphore(%run_scoped3A : memref<!tpu.dma_semaphore, #tpu.memory_space<semaphore_mem>>)
      %dma_wait3A_124 = arith.constant 0 : i32
      %dma_wait3A_125 = tpu.memref_slice %arg13[%mul3A_2, %dma_wait3A_124] : memref<10240x64xf32, #tpu.memory_space<vmem_shared>> -> memref<640x64xf32, #tpu.memory_space<vmem_shared>>
      %dma_wait3A_126 = arith.constant 0 : i32
      %dma_wait3A_127 = tpu.memref_slice %arg5[%mul3A_2, %dma_wait3A_126] : memref<10240x64xf32, #tpu.memory_space<hbm>> -> memref<640x64xf32, #tpu.memory_space<hbm>>
      tpu.wait_dma2 semaphore(%run_scoped3A : memref<!tpu.dma_semaphore, #tpu.memory_space<semaphore_mem>>) src(%dma_wait3A_127 : memref<640x64xf32, #tpu.memory_space<hbm>>) dst(%dma_wait3A_125 : memref<640x64xf32, #tpu.memory_space<vmem_shared>>)
      tpu.yield
    }) : () -> ()
    %barrier3A = arith.constant 0 : index
    tpu.barrier barrier_id(%barrier3A)
    %dma_start3A = arith.constant 0 : i32
    %dma_start3A_3 = arith.constant 0 : i32
    %dma_start3A_4 = tpu.memref_slice %arg7[%dma_start3A, %dma_start3A_3] : memref<200x100xi32, #tpu.memory_space<vmem>> -> memref<1x100xi32, #tpu.memory_space<vmem>>
    %dma_start3A_5 = tpu.memref_squeeze %dma_start3A_4 : memref<1x100xi32, #tpu.memory_space<vmem>> -> memref<100xi32, #tpu.memory_space<vmem>>
    %dma_start3A_6 = arith.constant 0 : i32
    %dma_start3A_7 = arith.constant 0 : i32
    %dma_start3A_8 = tpu.memref_slice %arg2[%dma_start3A_6, %dma_start3A_7] : memref<20000x64xf32, #tpu.memory_space<hbm>> -> memref<20000x64xf32, #tpu.memory_space<hbm>>
    tpu.enqueue_indirect_dma source(%dma_start3A_8 : memref<20000x64xf32, #tpu.memory_space<hbm>>) target(%arg9 : memref<100x64xf32, #tpu.memory_space<vmem>>) offsets(%dma_start3A_5 : memref<100xi32, #tpu.memory_space<vmem>>) semaphore(%arg14 : memref<!tpu.dma_semaphore, #tpu.memory_space<semaphore_mem>>)
    %dma_start3A_9 = arith.constant 1 : i32
    %dma_start3A_10 = arith.constant 0 : i32
    %dma_start3A_11 = tpu.memref_slice %arg7[%dma_start3A_9, %dma_start3A_10] : memref<200x100xi32, #tpu.memory_space<vmem>> -> memref<1x100xi32, #tpu.memory_space<vmem>>
    %dma_start3A_12 = tpu.memref_squeeze %dma_start3A_11 : memref<1x100xi32, #tpu.memory_space<vmem>> -> memref<100xi32, #tpu.memory_space<vmem>>
    %dma_start3A_13 = arith.constant 0 : i32
    %dma_start3A_14 = arith.constant 0 : i32
    %dma_start3A_15 = tpu.memref_slice %arg2[%dma_start3A_13, %dma_start3A_14] : memref<20000x64xf32, #tpu.memory_space<hbm>> -> memref<20000x64xf32, #tpu.memory_space<hbm>>
    tpu.enqueue_indirect_dma source(%dma_start3A_15 : memref<20000x64xf32, #tpu.memory_space<hbm>>) target(%arg10 : memref<100x64xf32, #tpu.memory_space<vmem>>) offsets(%dma_start3A_12 : memref<100xi32, #tpu.memory_space<vmem>>) semaphore(%arg15 : memref<!tpu.dma_semaphore, #tpu.memory_space<semaphore_mem>>)
    %dma_start3A_16 = arith.constant 2 : i32
    %dma_start3A_17 = arith.constant 0 : i32
    %dma_start3A_18 = tpu.memref_slice %arg7[%dma_start3A_16, %dma_start3A_17] : memref<200x100xi32, #tpu.memory_space<vmem>> -> memref<1x100xi32, #tpu.memory_space<vmem>>
    %dma_start3A_19 = tpu.memref_squeeze %dma_start3A_18 : memref<1x100xi32, #tpu.memory_space<vmem>> -> memref<100xi32, #tpu.memory_space<vmem>>
    %dma_start3A_20 = arith.constant 0 : i32
    %dma_start3A_21 = arith.constant 0 : i32
    %dma_start3A_22 = tpu.memref_slice %arg2[%dma_start3A_20, %dma_start3A_21] : memref<20000x64xf32, #tpu.memory_space<hbm>> -> memref<20000x64xf32, #tpu.memory_space<hbm>>
    tpu.enqueue_indirect_dma source(%dma_start3A_22 : memref<20000x64xf32, #tpu.memory_space<hbm>>) target(%arg11 : memref<100x64xf32, #tpu.memory_space<vmem>>) offsets(%dma_start3A_19 : memref<100xi32, #tpu.memory_space<vmem>>) semaphore(%arg16 : memref<!tpu.dma_semaphore, #tpu.memory_space<semaphore_mem>>)
    %dma_start3A_23 = arith.constant 3 : i32
    %dma_start3A_24 = arith.constant 0 : i32
    %dma_start3A_25 = tpu.memref_slice %arg7[%dma_start3A_23, %dma_start3A_24] : memref<200x100xi32, #tpu.memory_space<vmem>> -> memref<1x100xi32, #tpu.memory_space<vmem>>
    %dma_start3A_26 = tpu.memref_squeeze %dma_start3A_25 : memref<1x100xi32, #tpu.memory_space<vmem>> -> memref<100xi32, #tpu.memory_space<vmem>>
    %dma_start3A_27 = arith.constant 0 : i32
    %dma_start3A_28 = arith.constant 0 : i32
    %dma_start3A_29 = tpu.memref_slice %arg2[%dma_start3A_27, %dma_start3A_28] : memref<20000x64xf32, #tpu.memory_space<hbm>> -> memref<20000x64xf32, #tpu.memory_space<hbm>>
    tpu.enqueue_indirect_dma source(%dma_start3A_29 : memref<20000x64xf32, #tpu.memory_space<hbm>>) target(%arg12 : memref<100x64xf32, #tpu.memory_space<vmem>>) offsets(%dma_start3A_26 : memref<100xi32, #tpu.memory_space<vmem>>) semaphore(%arg17 : memref<!tpu.dma_semaphore, #tpu.memory_space<semaphore_mem>>)
    %scan3A = arith.constant 0 : i32
    %scan3A_30 = arith.constant 49 : i32
    %scan3A_31 = arith.addi %scan3A, %scan3A_30 : i32
    %scan3A_32 = arith.constant 1 : i32
    scf.for %scan3A_120 = %scan3A to %scan3A_31 step %scan3A_32  : i32 {
      %mul3A_121 = arith.constant 4 : i32
      %mul3A_122 = arith.muli %scan3A_120, %mul3A_121 : i32
      %add3A_123 = arith.constant 0 : i32
      %add3A_124 = arith.addi %add3A_123, %mul3A_122 : i32
      %add3A_125 = arith.constant 0 : i32
      %add3A_126 = arith.addi %add3A_124, %add3A_125 : i32
      %dma_wait3A_127 = arith.constant 0 : i32
      %dma_wait3A_128 = tpu.memref_slice %arg7[%add3A_126, %dma_wait3A_127] : memref<200x100xi32, #tpu.memory_space<vmem>> -> memref<1x100xi32, #tpu.memory_space<vmem>>
      %dma_wait3A_129 = tpu.memref_squeeze %dma_wait3A_128 : memref<1x100xi32, #tpu.memory_space<vmem>> -> memref<100xi32, #tpu.memory_space<vmem>>
      %dma_wait3A_130 = arith.constant 0 : i32
      %dma_wait3A_131 = arith.constant 0 : i32
      %dma_wait3A_132 = tpu.memref_slice %arg2[%dma_wait3A_130, %dma_wait3A_131] : memref<20000x64xf32, #tpu.memory_space<hbm>> -> memref<20000x64xf32, #tpu.memory_space<hbm>>
      tpu.wait_indirect_dma semaphore(%arg14 : memref<!tpu.dma_semaphore, #tpu.memory_space<semaphore_mem>>) src(%dma_wait3A_132 : memref<20000x64xf32, #tpu.memory_space<hbm>>) dst(%arg9 : memref<100x64xf32, #tpu.memory_space<vmem>>)
      %add3A_133 = arith.constant 0 : i32
      %add3A_134 = arith.addi %add3A_124, %add3A_133 : i32
      %dma_start3A_135 = arith.constant 0 : i32
      %dma_start3A_136 = tpu.memref_slice %arg8[%add3A_134, %dma_start3A_135] : memref<200x100xi32, #tpu.memory_space<vmem>> -> memref<1x100xi32, #tpu.memory_space<vmem>>
      %dma_start3A_137 = tpu.memref_squeeze %dma_start3A_136 : memref<1x100xi32, #tpu.memory_space<vmem>> -> memref<100xi32, #tpu.memory_space<vmem>>
      %dma_start3A_138 = arith.constant 0 : i32
      %dma_start3A_139 = arith.constant 0 : i32
      %dma_start3A_140 = tpu.memref_slice %arg13[%dma_start3A_138, %dma_start3A_139] : memref<10240x64xf32, #tpu.memory_space<vmem_shared>> -> memref<10240x64xf32, #tpu.memory_space<vmem_shared>>
      tpu.enqueue_indirect_dma source(%arg9 : memref<100x64xf32, #tpu.memory_space<vmem>>) target(%dma_start3A_140 : memref<10240x64xf32, #tpu.memory_space<vmem_shared>>) offsets(%dma_start3A_137 : memref<100xi32, #tpu.memory_space<vmem>>) semaphore(%arg18 : memref<!tpu.dma_semaphore, #tpu.memory_space<semaphore_mem>>) {add = true}
      %add3A_141 = arith.constant 1 : i32
      %add3A_142 = arith.addi %add3A_124, %add3A_141 : i32
      %dma_wait3A_143 = arith.constant 0 : i32
      %dma_wait3A_144 = tpu.memref_slice %arg7[%add3A_142, %dma_wait3A_143] : memref<200x100xi32, #tpu.memory_space<vmem>> -> memref<1x100xi32, #tpu.memory_space<vmem>>
      %dma_wait3A_145 = tpu.memref_squeeze %dma_wait3A_144 : memref<1x100xi32, #tpu.memory_space<vmem>> -> memref<100xi32, #tpu.memory_space<vmem>>
      %dma_wait3A_146 = arith.constant 0 : i32
      %dma_wait3A_147 = arith.constant 0 : i32
      %dma_wait3A_148 = tpu.memref_slice %arg2[%dma_wait3A_146, %dma_wait3A_147] : memref<20000x64xf32, #tpu.memory_space<hbm>> -> memref<20000x64xf32, #tpu.memory_space<hbm>>
      tpu.wait_indirect_dma semaphore(%arg15 : memref<!tpu.dma_semaphore, #tpu.memory_space<semaphore_mem>>) src(%dma_wait3A_148 : memref<20000x64xf32, #tpu.memory_space<hbm>>) dst(%arg10 : memref<100x64xf32, #tpu.memory_space<vmem>>)
      %add3A_149 = arith.constant 1 : i32
      %add3A_150 = arith.addi %add3A_124, %add3A_149 : i32
      %dma_start3A_151 = arith.constant 0 : i32
      %dma_start3A_152 = tpu.memref_slice %arg8[%add3A_150, %dma_start3A_151] : memref<200x100xi32, #tpu.memory_space<vmem>> -> memref<1x100xi32, #tpu.memory_space<vmem>>
      %dma_start3A_153 = tpu.memref_squeeze %dma_start3A_152 : memref<1x100xi32, #tpu.memory_space<vmem>> -> memref<100xi32, #tpu.memory_space<vmem>>
      %dma_start3A_154 = arith.constant 0 : i32
      %dma_start3A_155 = arith.constant 0 : i32
      %dma_start3A_156 = tpu.memref_slice %arg13[%dma_start3A_154, %dma_start3A_155] : memref<10240x64xf32, #tpu.memory_space<vmem_shared>> -> memref<10240x64xf32, #tpu.memory_space<vmem_shared>>
      tpu.enqueue_indirect_dma source(%arg10 : memref<100x64xf32, #tpu.memory_space<vmem>>) target(%dma_start3A_156 : memref<10240x64xf32, #tpu.memory_space<vmem_shared>>) offsets(%dma_start3A_153 : memref<100xi32, #tpu.memory_space<vmem>>) semaphore(%arg19 : memref<!tpu.dma_semaphore, #tpu.memory_space<semaphore_mem>>) {add = true}
      %add3A_157 = arith.constant 2 : i32
      %add3A_158 = arith.addi %add3A_124, %add3A_157 : i32
      %dma_wait3A_159 = arith.constant 0 : i32
      %dma_wait3A_160 = tpu.memref_slice %arg7[%add3A_158, %dma_wait3A_159] : memref<200x100xi32, #tpu.memory_space<vmem>> -> memref<1x100xi32, #tpu.memory_space<vmem>>
      %dma_wait3A_161 = tpu.memref_squeeze %dma_wait3A_160 : memref<1x100xi32, #tpu.memory_space<vmem>> -> memref<100xi32, #tpu.memory_space<vmem>>
      %dma_wait3A_162 = arith.constant 0 : i32
      %dma_wait3A_163 = arith.constant 0 : i32
      %dma_wait3A_164 = tpu.memref_slice %arg2[%dma_wait3A_162, %dma_wait3A_163] : memref<20000x64xf32, #tpu.memory_space<hbm>> -> memref<20000x64xf32, #tpu.memory_space<hbm>>
      tpu.wait_indirect_dma semaphore(%arg16 : memref<!tpu.dma_semaphore, #tpu.memory_space<semaphore_mem>>) src(%dma_wait3A_164 : memref<20000x64xf32, #tpu.memory_space<hbm>>) dst(%arg11 : memref<100x64xf32, #tpu.memory_space<vmem>>)
      %add3A_165 = arith.constant 2 : i32
      %add3A_166 = arith.addi %add3A_124, %add3A_165 : i32
      %dma_start3A_167 = arith.constant 0 : i32
      %dma_start3A_168 = tpu.memref_slice %arg8[%add3A_166, %dma_start3A_167] : memref<200x100xi32, #tpu.memory_space<vmem>> -> memref<1x100xi32, #tpu.memory_space<vmem>>
      %dma_start3A_169 = tpu.memref_squeeze %dma_start3A_168 : memref<1x100xi32, #tpu.memory_space<vmem>> -> memref<100xi32, #tpu.memory_space<vmem>>
      %dma_start3A_170 = arith.constant 0 : i32
      %dma_start3A_171 = arith.constant 0 : i32
      %dma_start3A_172 = tpu.memref_slice %arg13[%dma_start3A_170, %dma_start3A_171] : memref<10240x64xf32, #tpu.memory_space<vmem_shared>> -> memref<10240x64xf32, #tpu.memory_space<vmem_shared>>
      tpu.enqueue_indirect_dma source(%arg11 : memref<100x64xf32, #tpu.memory_space<vmem>>) target(%dma_start3A_172 : memref<10240x64xf32, #tpu.memory_space<vmem_shared>>) offsets(%dma_start3A_169 : memref<100xi32, #tpu.memory_space<vmem>>) semaphore(%arg20 : memref<!tpu.dma_semaphore, #tpu.memory_space<semaphore_mem>>) {add = true}
      %add3A_173 = arith.constant 3 : i32
      %add3A_174 = arith.addi %add3A_124, %add3A_173 : i32
      %dma_wait3A_175 = arith.constant 0 : i32
      %dma_wait3A_176 = tpu.memref_slice %arg7[%add3A_174, %dma_wait3A_175] : memref<200x100xi32, #tpu.memory_space<vmem>> -> memref<1x100xi32, #tpu.memory_space<vmem>>
      %dma_wait3A_177 = tpu.memref_squeeze %dma_wait3A_176 : memref<1x100xi32, #tpu.memory_space<vmem>> -> memref<100xi32, #tpu.memory_space<vmem>>
      %dma_wait3A_178 = arith.constant 0 : i32
      %dma_wait3A_179 = arith.constant 0 : i32
      %dma_wait3A_180 = tpu.memref_slice %arg2[%dma_wait3A_178, %dma_wait3A_179] : memref<20000x64xf32, #tpu.memory_space<hbm>> -> memref<20000x64xf32, #tpu.memory_space<hbm>>
      tpu.wait_indirect_dma semaphore(%arg17 : memref<!tpu.dma_semaphore, #tpu.memory_space<semaphore_mem>>) src(%dma_wait3A_180 : memref<20000x64xf32, #tpu.memory_space<hbm>>) dst(%arg12 : memref<100x64xf32, #tpu.memory_space<vmem>>)
      %add3A_181 = arith.constant 3 : i32
      %add3A_182 = arith.addi %add3A_124, %add3A_181 : i32
      %dma_start3A_183 = arith.constant 0 : i32
      %dma_start3A_184 = tpu.memref_slice %arg8[%add3A_182, %dma_start3A_183] : memref<200x100xi32, #tpu.memory_space<vmem>> -> memref<1x100xi32, #tpu.memory_space<vmem>>
      %dma_start3A_185 = tpu.memref_squeeze %dma_start3A_184 : memref<1x100xi32, #tpu.memory_space<vmem>> -> memref<100xi32, #tpu.memory_space<vmem>>
      %dma_start3A_186 = arith.constant 0 : i32
      %dma_start3A_187 = arith.constant 0 : i32
      %dma_start3A_188 = tpu.memref_slice %arg13[%dma_start3A_186, %dma_start3A_187] : memref<10240x64xf32, #tpu.memory_space<vmem_shared>> -> memref<10240x64xf32, #tpu.memory_space<vmem_shared>>
      tpu.enqueue_indirect_dma source(%arg12 : memref<100x64xf32, #tpu.memory_space<vmem>>) target(%dma_start3A_188 : memref<10240x64xf32, #tpu.memory_space<vmem_shared>>) offsets(%dma_start3A_185 : memref<100xi32, #tpu.memory_space<vmem>>) semaphore(%arg21 : memref<!tpu.dma_semaphore, #tpu.memory_space<semaphore_mem>>) {add = true}
      %add3A_189 = arith.constant 0 : i32
      %add3A_190 = arith.addi %add3A_124, %add3A_189 : i32
      %dma_wait3A_191 = arith.constant 0 : i32
      %dma_wait3A_192 = tpu.memref_slice %arg8[%add3A_190, %dma_wait3A_191] : memref<200x100xi32, #tpu.memory_space<vmem>> -> memref<1x100xi32, #tpu.memory_space<vmem>>
      %dma_wait3A_193 = tpu.memref_squeeze %dma_wait3A_192 : memref<1x100xi32, #tpu.memory_space<vmem>> -> memref<100xi32, #tpu.memory_space<vmem>>
      %dma_wait3A_194 = arith.constant 0 : i32
      %dma_wait3A_195 = arith.constant 0 : i32
      %dma_wait3A_196 = tpu.memref_slice %arg13[%dma_wait3A_194, %dma_wait3A_195] : memref<10240x64xf32, #tpu.memory_space<vmem_shared>> -> memref<10240x64xf32, #tpu.memory_space<vmem_shared>>
      tpu.wait_indirect_dma semaphore(%arg18 : memref<!tpu.dma_semaphore, #tpu.memory_space<semaphore_mem>>) src(%arg9 : memref<100x64xf32, #tpu.memory_space<vmem>>) dst(%dma_wait3A_196 : memref<10240x64xf32, #tpu.memory_space<vmem_shared>>)
      %add3A_197 = arith.constant 4 : i32
      %add3A_198 = arith.addi %add3A_124, %add3A_197 : i32
      %add3A_199 = arith.constant 0 : i32
      %add3A_200 = arith.addi %add3A_198, %add3A_199 : i32
      %dma_start3A_201 = arith.constant 0 : i32
      %dma_start3A_202 = tpu.memref_slice %arg7[%add3A_200, %dma_start3A_201] : memref<200x100xi32, #tpu.memory_space<vmem>> -> memref<1x100xi32, #tpu.memory_space<vmem>>
      %dma_start3A_203 = tpu.memref_squeeze %dma_start3A_202 : memref<1x100xi32, #tpu.memory_space<vmem>> -> memref<100xi32, #tpu.memory_space<vmem>>
      %dma_start3A_204 = arith.constant 0 : i32
      %dma_start3A_205 = arith.constant 0 : i32
      %dma_start3A_206 = tpu.memref_slice %arg2[%dma_start3A_204, %dma_start3A_205] : memref<20000x64xf32, #tpu.memory_space<hbm>> -> memref<20000x64xf32, #tpu.memory_space<hbm>>
      tpu.enqueue_indirect_dma source(%dma_start3A_206 : memref<20000x64xf32, #tpu.memory_space<hbm>>) target(%arg9 : memref<100x64xf32, #tpu.memory_space<vmem>>) offsets(%dma_start3A_203 : memref<100xi32, #tpu.memory_space<vmem>>) semaphore(%arg14 : memref<!tpu.dma_semaphore, #tpu.memory_space<semaphore_mem>>)
      %add3A_207 = arith.constant 1 : i32
      %add3A_208 = arith.addi %add3A_124, %add3A_207 : i32
      %dma_wait3A_209 = arith.constant 0 : i32
      %dma_wait3A_210 = tpu.memref_slice %arg8[%add3A_208, %dma_wait3A_209] : memref<200x100xi32, #tpu.memory_space<vmem>> -> memref<1x100xi32, #tpu.memory_space<vmem>>
      %dma_wait3A_211 = tpu.memref_squeeze %dma_wait3A_210 : memref<1x100xi32, #tpu.memory_space<vmem>> -> memref<100xi32, #tpu.memory_space<vmem>>
      %dma_wait3A_212 = arith.constant 0 : i32
      %dma_wait3A_213 = arith.constant 0 : i32
      %dma_wait3A_214 = tpu.memref_slice %arg13[%dma_wait3A_212, %dma_wait3A_213] : memref<10240x64xf32, #tpu.memory_space<vmem_shared>> -> memref<10240x64xf32, #tpu.memory_space<vmem_shared>>
      tpu.wait_indirect_dma semaphore(%arg19 : memref<!tpu.dma_semaphore, #tpu.memory_space<semaphore_mem>>) src(%arg10 : memref<100x64xf32, #tpu.memory_space<vmem>>) dst(%dma_wait3A_214 : memref<10240x64xf32, #tpu.memory_space<vmem_shared>>)
      %add3A_215 = arith.constant 4 : i32
      %add3A_216 = arith.addi %add3A_124, %add3A_215 : i32
      %add3A_217 = arith.constant 1 : i32
      %add3A_218 = arith.addi %add3A_216, %add3A_217 : i32
      %dma_start3A_219 = arith.constant 0 : i32
      %dma_start3A_220 = tpu.memref_slice %arg7[%add3A_218, %dma_start3A_219] : memref<200x100xi32, #tpu.memory_space<vmem>> -> memref<1x100xi32, #tpu.memory_space<vmem>>
      %dma_start3A_221 = tpu.memref_squeeze %dma_start3A_220 : memref<1x100xi32, #tpu.memory_space<vmem>> -> memref<100xi32, #tpu.memory_space<vmem>>
      %dma_start3A_222 = arith.constant 0 : i32
      %dma_start3A_223 = arith.constant 0 : i32
      %dma_start3A_224 = tpu.memref_slice %arg2[%dma_start3A_222, %dma_start3A_223] : memref<20000x64xf32, #tpu.memory_space<hbm>> -> memref<20000x64xf32, #tpu.memory_space<hbm>>
      tpu.enqueue_indirect_dma source(%dma_start3A_224 : memref<20000x64xf32, #tpu.memory_space<hbm>>) target(%arg10 : memref<100x64xf32, #tpu.memory_space<vmem>>) offsets(%dma_start3A_221 : memref<100xi32, #tpu.memory_space<vmem>>) semaphore(%arg15 : memref<!tpu.dma_semaphore, #tpu.memory_space<semaphore_mem>>)
      %add3A_225 = arith.constant 2 : i32
      %add3A_226 = arith.addi %add3A_124, %add3A_225 : i32
      %dma_wait3A_227 = arith.constant 0 : i32
      %dma_wait3A_228 = tpu.memref_slice %arg8[%add3A_226, %dma_wait3A_227] : memref<200x100xi32, #tpu.memory_space<vmem>> -> memref<1x100xi32, #tpu.memory_space<vmem>>
      %dma_wait3A_229 = tpu.memref_squeeze %dma_wait3A_228 : memref<1x100xi32, #tpu.memory_space<vmem>> -> memref<100xi32, #tpu.memory_space<vmem>>
      %dma_wait3A_230 = arith.constant 0 : i32
      %dma_wait3A_231 = arith.constant 0 : i32
      %dma_wait3A_232 = tpu.memref_slice %arg13[%dma_wait3A_230, %dma_wait3A_231] : memref<10240x64xf32, #tpu.memory_space<vmem_shared>> -> memref<10240x64xf32, #tpu.memory_space<vmem_shared>>
      tpu.wait_indirect_dma semaphore(%arg20 : memref<!tpu.dma_semaphore, #tpu.memory_space<semaphore_mem>>) src(%arg11 : memref<100x64xf32, #tpu.memory_space<vmem>>) dst(%dma_wait3A_232 : memref<10240x64xf32, #tpu.memory_space<vmem_shared>>)
      %add3A_233 = arith.constant 4 : i32
      %add3A_234 = arith.addi %add3A_124, %add3A_233 : i32
      %add3A_235 = arith.constant 2 : i32
      %add3A_236 = arith.addi %add3A_234, %add3A_235 : i32
      %dma_start3A_237 = arith.constant 0 : i32
      %dma_start3A_238 = tpu.memref_slice %arg7[%add3A_236, %dma_start3A_237] : memref<200x100xi32, #tpu.memory_space<vmem>> -> memref<1x100xi32, #tpu.memory_space<vmem>>
      %dma_start3A_239 = tpu.memref_squeeze %dma_start3A_238 : memref<1x100xi32, #tpu.memory_space<vmem>> -> memref<100xi32, #tpu.memory_space<vmem>>
      %dma_start3A_240 = arith.constant 0 : i32
      %dma_start3A_241 = arith.constant 0 : i32
      %dma_start3A_242 = tpu.memref_slice %arg2[%dma_start3A_240, %dma_start3A_241] : memref<20000x64xf32, #tpu.memory_space<hbm>> -> memref<20000x64xf32, #tpu.memory_space<hbm>>
      tpu.enqueue_indirect_dma source(%dma_start3A_242 : memref<20000x64xf32, #tpu.memory_space<hbm>>) target(%arg11 : memref<100x64xf32, #tpu.memory_space<vmem>>) offsets(%dma_start3A_239 : memref<100xi32, #tpu.memory_space<vmem>>) semaphore(%arg16 : memref<!tpu.dma_semaphore, #tpu.memory_space<semaphore_mem>>)
      %add3A_243 = arith.constant 3 : i32
      %add3A_244 = arith.addi %add3A_124, %add3A_243 : i32
      %dma_wait3A_245 = arith.constant 0 : i32
      %dma_wait3A_246 = tpu.memref_slice %arg8[%add3A_244, %dma_wait3A_245] : memref<200x100xi32, #tpu.memory_space<vmem>> -> memref<1x100xi32, #tpu.memory_space<vmem>>
      %dma_wait3A_247 = tpu.memref_squeeze %dma_wait3A_246 : memref<1x100xi32, #tpu.memory_space<vmem>> -> memref<100xi32, #tpu.memory_space<vmem>>
      %dma_wait3A_248 = arith.constant 0 : i32
      %dma_wait3A_249 = arith.constant 0 : i32
      %dma_wait3A_250 = tpu.memref_slice %arg13[%dma_wait3A_248, %dma_wait3A_249] : memref<10240x64xf32, #tpu.memory_space<vmem_shared>> -> memref<10240x64xf32, #tpu.memory_space<vmem_shared>>
      tpu.wait_indirect_dma semaphore(%arg21 : memref<!tpu.dma_semaphore, #tpu.memory_space<semaphore_mem>>) src(%arg12 : memref<100x64xf32, #tpu.memory_space<vmem>>) dst(%dma_wait3A_250 : memref<10240x64xf32, #tpu.memory_space<vmem_shared>>)
      %add3A_251 = arith.constant 4 : i32
      %add3A_252 = arith.addi %add3A_124, %add3A_251 : i32
      %add3A_253 = arith.constant 3 : i32
      %add3A_254 = arith.addi %add3A_252, %add3A_253 : i32
      %dma_start3A_255 = arith.constant 0 : i32
      %dma_start3A_256 = tpu.memref_slice %arg7[%add3A_254, %dma_start3A_255] : memref<200x100xi32, #tpu.memory_space<vmem>> -> memref<1x100xi32, #tpu.memory_space<vmem>>
      %dma_start3A_257 = tpu.memref_squeeze %dma_start3A_256 : memref<1x100xi32, #tpu.memory_space<vmem>> -> memref<100xi32, #tpu.memory_space<vmem>>
      %dma_start3A_258 = arith.constant 0 : i32
      %dma_start3A_259 = arith.constant 0 : i32
      %dma_start3A_260 = tpu.memref_slice %arg2[%dma_start3A_258, %dma_start3A_259] : memref<20000x64xf32, #tpu.memory_space<hbm>> -> memref<20000x64xf32, #tpu.memory_space<hbm>>
      tpu.enqueue_indirect_dma source(%dma_start3A_260 : memref<20000x64xf32, #tpu.memory_space<hbm>>) target(%arg12 : memref<100x64xf32, #tpu.memory_space<vmem>>) offsets(%dma_start3A_257 : memref<100xi32, #tpu.memory_space<vmem>>) semaphore(%arg17 : memref<!tpu.dma_semaphore, #tpu.memory_space<semaphore_mem>>)
    }
    %scan3A_33 = arith.constant 49 : i32
    %dma_wait3A = arith.constant 196 : i32
    %dma_wait3A_34 = arith.constant 0 : i32
    %dma_wait3A_35 = tpu.memref_slice %arg7[%dma_wait3A, %dma_wait3A_34] : memref<200x100xi32, #tpu.memory_space<vmem>> -> memref<1x100xi32, #tpu.memory_space<vmem>>
    %dma_wait3A_36 = tpu.memref_squeeze %dma_wait3A_35 : memref<1x100xi32, #tpu.memory_space<vmem>> -> memref<100xi32, #tpu.memory_space<vmem>>
    %dma_wait3A_37 = arith.constant 0 : i32
    %dma_wait3A_38 = arith.constant 0 : i32
    %dma_wait3A_39 = tpu.memref_slice %arg2[%dma_wait3A_37, %dma_wait3A_38] : memref<20000x64xf32, #tpu.memory_space<hbm>> -> memref<20000x64xf32, #tpu.memory_space<hbm>>
    tpu.wait_indirect_dma semaphore(%arg14 : memref<!tpu.dma_semaphore, #tpu.memory_space<semaphore_mem>>) src(%dma_wait3A_39 : memref<20000x64xf32, #tpu.memory_space<hbm>>) dst(%arg9 : memref<100x64xf32, #tpu.memory_space<vmem>>)
    %dma_start3A_40 = arith.constant 196 : i32
    %dma_start3A_41 = arith.constant 0 : i32
    %dma_start3A_42 = tpu.memref_slice %arg8[%dma_start3A_40, %dma_start3A_41] : memref<200x100xi32, #tpu.memory_space<vmem>> -> memref<1x100xi32, #tpu.memory_space<vmem>>
    %dma_start3A_43 = tpu.memref_squeeze %dma_start3A_42 : memref<1x100xi32, #tpu.memory_space<vmem>> -> memref<100xi32, #tpu.memory_space<vmem>>
    %dma_start3A_44 = arith.constant 0 : i32
    %dma_start3A_45 = arith.constant 0 : i32
    %dma_start3A_46 = tpu.memref_slice %arg13[%dma_start3A_44, %dma_start3A_45] : memref<10240x64xf32, #tpu.memory_space<vmem_shared>> -> memref<10240x64xf32, #tpu.memory_space<vmem_shared>>
    tpu.enqueue_indirect_dma source(%arg9 : memref<100x64xf32, #tpu.memory_space<vmem>>) target(%dma_start3A_46 : memref<10240x64xf32, #tpu.memory_space<vmem_shared>>) offsets(%dma_start3A_43 : memref<100xi32, #tpu.memory_space<vmem>>) semaphore(%arg18 : memref<!tpu.dma_semaphore, #tpu.memory_space<semaphore_mem>>) {add = true}
    %dma_wait3A_47 = arith.constant 197 : i32
    %dma_wait3A_48 = arith.constant 0 : i32
    %dma_wait3A_49 = tpu.memref_slice %arg7[%dma_wait3A_47, %dma_wait3A_48] : memref<200x100xi32, #tpu.memory_space<vmem>> -> memref<1x100xi32, #tpu.memory_space<vmem>>
    %dma_wait3A_50 = tpu.memref_squeeze %dma_wait3A_49 : memref<1x100xi32, #tpu.memory_space<vmem>> -> memref<100xi32, #tpu.memory_space<vmem>>
    %dma_wait3A_51 = arith.constant 0 : i32
    %dma_wait3A_52 = arith.constant 0 : i32
    %dma_wait3A_53 = tpu.memref_slice %arg2[%dma_wait3A_51, %dma_wait3A_52] : memref<20000x64xf32, #tpu.memory_space<hbm>> -> memref<20000x64xf32, #tpu.memory_space<hbm>>
    tpu.wait_indirect_dma semaphore(%arg15 : memref<!tpu.dma_semaphore, #tpu.memory_space<semaphore_mem>>) src(%dma_wait3A_53 : memref<20000x64xf32, #tpu.memory_space<hbm>>) dst(%arg10 : memref<100x64xf32, #tpu.memory_space<vmem>>)
    %dma_start3A_54 = arith.constant 197 : i32
    %dma_start3A_55 = arith.constant 0 : i32
    %dma_start3A_56 = tpu.memref_slice %arg8[%dma_start3A_54, %dma_start3A_55] : memref<200x100xi32, #tpu.memory_space<vmem>> -> memref<1x100xi32, #tpu.memory_space<vmem>>
    %dma_start3A_57 = tpu.memref_squeeze %dma_start3A_56 : memref<1x100xi32, #tpu.memory_space<vmem>> -> memref<100xi32, #tpu.memory_space<vmem>>
    %dma_start3A_58 = arith.constant 0 : i32
    %dma_start3A_59 = arith.constant 0 : i32
    %dma_start3A_60 = tpu.memref_slice %arg13[%dma_start3A_58, %dma_start3A_59] : memref<10240x64xf32, #tpu.memory_space<vmem_shared>> -> memref<10240x64xf32, #tpu.memory_space<vmem_shared>>
    tpu.enqueue_indirect_dma source(%arg10 : memref<100x64xf32, #tpu.memory_space<vmem>>) target(%dma_start3A_60 : memref<10240x64xf32, #tpu.memory_space<vmem_shared>>) offsets(%dma_start3A_57 : memref<100xi32, #tpu.memory_space<vmem>>) semaphore(%arg19 : memref<!tpu.dma_semaphore, #tpu.memory_space<semaphore_mem>>) {add = true}
    %dma_wait3A_61 = arith.constant 198 : i32
    %dma_wait3A_62 = arith.constant 0 : i32
    %dma_wait3A_63 = tpu.memref_slice %arg7[%dma_wait3A_61, %dma_wait3A_62] : memref<200x100xi32, #tpu.memory_space<vmem>> -> memref<1x100xi32, #tpu.memory_space<vmem>>
    %dma_wait3A_64 = tpu.memref_squeeze %dma_wait3A_63 : memref<1x100xi32, #tpu.memory_space<vmem>> -> memref<100xi32, #tpu.memory_space<vmem>>
    %dma_wait3A_65 = arith.constant 0 : i32
    %dma_wait3A_66 = arith.constant 0 : i32
    %dma_wait3A_67 = tpu.memref_slice %arg2[%dma_wait3A_65, %dma_wait3A_66] : memref<20000x64xf32, #tpu.memory_space<hbm>> -> memref<20000x64xf32, #tpu.memory_space<hbm>>
    tpu.wait_indirect_dma semaphore(%arg16 : memref<!tpu.dma_semaphore, #tpu.memory_space<semaphore_mem>>) src(%dma_wait3A_67 : memref<20000x64xf32, #tpu.memory_space<hbm>>) dst(%arg11 : memref<100x64xf32, #tpu.memory_space<vmem>>)
    %dma_start3A_68 = arith.constant 198 : i32
    %dma_start3A_69 = arith.constant 0 : i32
    %dma_start3A_70 = tpu.memref_slice %arg8[%dma_start3A_68, %dma_start3A_69] : memref<200x100xi32, #tpu.memory_space<vmem>> -> memref<1x100xi32, #tpu.memory_space<vmem>>
    %dma_start3A_71 = tpu.memref_squeeze %dma_start3A_70 : memref<1x100xi32, #tpu.memory_space<vmem>> -> memref<100xi32, #tpu.memory_space<vmem>>
    %dma_start3A_72 = arith.constant 0 : i32
    %dma_start3A_73 = arith.constant 0 : i32
    %dma_start3A_74 = tpu.memref_slice %arg13[%dma_start3A_72, %dma_start3A_73] : memref<10240x64xf32, #tpu.memory_space<vmem_shared>> -> memref<10240x64xf32, #tpu.memory_space<vmem_shared>>
    tpu.enqueue_indirect_dma source(%arg11 : memref<100x64xf32, #tpu.memory_space<vmem>>) target(%dma_start3A_74 : memref<10240x64xf32, #tpu.memory_space<vmem_shared>>) offsets(%dma_start3A_71 : memref<100xi32, #tpu.memory_space<vmem>>) semaphore(%arg20 : memref<!tpu.dma_semaphore, #tpu.memory_space<semaphore_mem>>) {add = true}
    %dma_wait3A_75 = arith.constant 199 : i32
    %dma_wait3A_76 = arith.constant 0 : i32
    %dma_wait3A_77 = tpu.memref_slice %arg7[%dma_wait3A_75, %dma_wait3A_76] : memref<200x100xi32, #tpu.memory_space<vmem>> -> memref<1x100xi32, #tpu.memory_space<vmem>>
    %dma_wait3A_78 = tpu.memref_squeeze %dma_wait3A_77 : memref<1x100xi32, #tpu.memory_space<vmem>> -> memref<100xi32, #tpu.memory_space<vmem>>
    %dma_wait3A_79 = arith.constant 0 : i32
    %dma_wait3A_80 = arith.constant 0 : i32
    %dma_wait3A_81 = tpu.memref_slice %arg2[%dma_wait3A_79, %dma_wait3A_80] : memref<20000x64xf32, #tpu.memory_space<hbm>> -> memref<20000x64xf32, #tpu.memory_space<hbm>>
    tpu.wait_indirect_dma semaphore(%arg17 : memref<!tpu.dma_semaphore, #tpu.memory_space<semaphore_mem>>) src(%dma_wait3A_81 : memref<20000x64xf32, #tpu.memory_space<hbm>>) dst(%arg12 : memref<100x64xf32, #tpu.memory_space<vmem>>)
    %dma_start3A_82 = arith.constant 199 : i32
    %dma_start3A_83 = arith.constant 0 : i32
    %dma_start3A_84 = tpu.memref_slice %arg8[%dma_start3A_82, %dma_start3A_83] : memref<200x100xi32, #tpu.memory_space<vmem>> -> memref<1x100xi32, #tpu.memory_space<vmem>>
    %dma_start3A_85 = tpu.memref_squeeze %dma_start3A_84 : memref<1x100xi32, #tpu.memory_space<vmem>> -> memref<100xi32, #tpu.memory_space<vmem>>
    %dma_start3A_86 = arith.constant 0 : i32
    %dma_start3A_87 = arith.constant 0 : i32
    %dma_start3A_88 = tpu.memref_slice %arg13[%dma_start3A_86, %dma_start3A_87] : memref<10240x64xf32, #tpu.memory_space<vmem_shared>> -> memref<10240x64xf32, #tpu.memory_space<vmem_shared>>
    tpu.enqueue_indirect_dma source(%arg12 : memref<100x64xf32, #tpu.memory_space<vmem>>) target(%dma_start3A_88 : memref<10240x64xf32, #tpu.memory_space<vmem_shared>>) offsets(%dma_start3A_85 : memref<100xi32, #tpu.memory_space<vmem>>) semaphore(%arg21 : memref<!tpu.dma_semaphore, #tpu.memory_space<semaphore_mem>>) {add = true}
    %dma_wait3A_89 = arith.constant 196 : i32
    %dma_wait3A_90 = arith.constant 0 : i32
    %dma_wait3A_91 = tpu.memref_slice %arg8[%dma_wait3A_89, %dma_wait3A_90] : memref<200x100xi32, #tpu.memory_space<vmem>> -> memref<1x100xi32, #tpu.memory_space<vmem>>
    %dma_wait3A_92 = tpu.memref_squeeze %dma_wait3A_91 : memref<1x100xi32, #tpu.memory_space<vmem>> -> memref<100xi32, #tpu.memory_space<vmem>>
    %dma_wait3A_93 = arith.constant 0 : i32
    %dma_wait3A_94 = arith.constant 0 : i32
    %dma_wait3A_95 = tpu.memref_slice %arg13[%dma_wait3A_93, %dma_wait3A_94] : memref<10240x64xf32, #tpu.memory_space<vmem_shared>> -> memref<10240x64xf32, #tpu.memory_space<vmem_shared>>
    tpu.wait_indirect_dma semaphore(%arg18 : memref<!tpu.dma_semaphore, #tpu.memory_space<semaphore_mem>>) src(%arg9 : memref<100x64xf32, #tpu.memory_space<vmem>>) dst(%dma_wait3A_95 : memref<10240x64xf32, #tpu.memory_space<vmem_shared>>)
    %dma_wait3A_96 = arith.constant 197 : i32
    %dma_wait3A_97 = arith.constant 0 : i32
    %dma_wait3A_98 = tpu.memref_slice %arg8[%dma_wait3A_96, %dma_wait3A_97] : memref<200x100xi32, #tpu.memory_space<vmem>> -> memref<1x100xi32, #tpu.memory_space<vmem>>
    %dma_wait3A_99 = tpu.memref_squeeze %dma_wait3A_98 : memref<1x100xi32, #tpu.memory_space<vmem>> -> memref<100xi32, #tpu.memory_space<vmem>>
    %dma_wait3A_100 = arith.constant 0 : i32
    %dma_wait3A_101 = arith.constant 0 : i32
    %dma_wait3A_102 = tpu.memref_slice %arg13[%dma_wait3A_100, %dma_wait3A_101] : memref<10240x64xf32, #tpu.memory_space<vmem_shared>> -> memref<10240x64xf32, #tpu.memory_space<vmem_shared>>
    tpu.wait_indirect_dma semaphore(%arg19 : memref<!tpu.dma_semaphore, #tpu.memory_space<semaphore_mem>>) src(%arg10 : memref<100x64xf32, #tpu.memory_space<vmem>>) dst(%dma_wait3A_102 : memref<10240x64xf32, #tpu.memory_space<vmem_shared>>)
    %dma_wait3A_103 = arith.constant 198 : i32
    %dma_wait3A_104 = arith.constant 0 : i32
    %dma_wait3A_105 = tpu.memref_slice %arg8[%dma_wait3A_103, %dma_wait3A_104] : memref<200x100xi32, #tpu.memory_space<vmem>> -> memref<1x100xi32, #tpu.memory_space<vmem>>
    %dma_wait3A_106 = tpu.memref_squeeze %dma_wait3A_105 : memref<1x100xi32, #tpu.memory_space<vmem>> -> memref<100xi32, #tpu.memory_space<vmem>>
    %dma_wait3A_107 = arith.constant 0 : i32
    %dma_wait3A_108 = arith.constant 0 : i32
    %dma_wait3A_109 = tpu.memref_slice %arg13[%dma_wait3A_107, %dma_wait3A_108] : memref<10240x64xf32, #tpu.memory_space<vmem_shared>> -> memref<10240x64xf32, #tpu.memory_space<vmem_shared>>
    tpu.wait_indirect_dma semaphore(%arg20 : memref<!tpu.dma_semaphore, #tpu.memory_space<semaphore_mem>>) src(%arg11 : memref<100x64xf32, #tpu.memory_space<vmem>>) dst(%dma_wait3A_109 : memref<10240x64xf32, #tpu.memory_space<vmem_shared>>)
    %dma_wait3A_110 = arith.constant 199 : i32
    %dma_wait3A_111 = arith.constant 0 : i32
    %dma_wait3A_112 = tpu.memref_slice %arg8[%dma_wait3A_110, %dma_wait3A_111] : memref<200x100xi32, #tpu.memory_space<vmem>> -> memref<1x100xi32, #tpu.memory_space<vmem>>
    %dma_wait3A_113 = tpu.memref_squeeze %dma_wait3A_112 : memref<1x100xi32, #tpu.memory_space<vmem>> -> memref<100xi32, #tpu.memory_space<vmem>>
    %dma_wait3A_114 = arith.constant 0 : i32
    %dma_wait3A_115 = arith.constant 0 : i32
    %dma_wait3A_116 = tpu.memref_slice %arg13[%dma_wait3A_114, %dma_wait3A_115] : memref<10240x64xf32, #tpu.memory_space<vmem_shared>> -> memref<10240x64xf32, #tpu.memory_space<vmem_shared>>
    tpu.wait_indirect_dma semaphore(%arg21 : memref<!tpu.dma_semaphore, #tpu.memory_space<semaphore_mem>>) src(%arg12 : memref<100x64xf32, #tpu.memory_space<vmem>>) dst(%dma_wait3A_116 : memref<10240x64xf32, #tpu.memory_space<vmem_shared>>)
    %barrier3A_117 = arith.constant 0 : index
    tpu.barrier barrier_id(%barrier3A_117)
    %mul3A_118 = arith.constant 64 : i32
    %mul3A_119 = arith.muli %arg0, %mul3A_118 : i32
    "tpu.region"() ({
      %run_scoped3A = tpu.sem_alloc : memref<!tpu.dma_semaphore, #tpu.memory_space<semaphore_mem>>
      %dma_start3A_120 = tpu.memref_slice %arg6[%mul3A_2, %mul3A_119] : memref<10240x128xf32, #tpu.memory_space<hbm>> -> memref<640x64xf32, #tpu.memory_space<hbm>>
      %dma_start3A_121 = arith.constant 0 : i32
      %dma_start3A_122 = tpu.memref_slice %arg13[%mul3A_2, %dma_start3A_121] : memref<10240x64xf32, #tpu.memory_space<vmem_shared>> -> memref<640x64xf32, #tpu.memory_space<vmem_shared>>
      tpu.enqueue_dma source(%dma_start3A_122 : memref<640x64xf32, #tpu.memory_space<vmem_shared>>) target(%dma_start3A_120 : memref<640x64xf32, #tpu.memory_space<hbm>>) target_semaphore(%run_scoped3A : memref<!tpu.dma_semaphore, #tpu.memory_space<semaphore_mem>>)
      %dma_wait3A_123 = tpu.memref_slice %arg6[%mul3A_2, %mul3A_119] : memref<10240x128xf32, #tpu.memory_space<hbm>> -> memref<640x64xf32, #tpu.memory_space<hbm>>
      %dma_wait3A_124 = arith.constant 0 : i32
      %dma_wait3A_125 = tpu.memref_slice %arg13[%mul3A_2, %dma_wait3A_124] : memref<10240x64xf32, #tpu.memory_space<vmem_shared>> -> memref<640x64xf32, #tpu.memory_space<vmem_shared>>
      tpu.wait_dma2 semaphore(%run_scoped3A : memref<!tpu.dma_semaphore, #tpu.memory_space<semaphore_mem>>) src(%dma_wait3A_125 : memref<640x64xf32, #tpu.memory_space<vmem_shared>>) dst(%dma_wait3A_123 : memref<640x64xf32, #tpu.memory_space<hbm>>)
      tpu.yield
    }) : () -> ()
    return
  }
}

module attributes {stable_mosaic.version = 14 : i64} {
  func.func @_tc_h_body(%arg0: memref<10000x128xf32, #tpu.memory_space<vmem>>, %arg1: memref<128x128xf32, #tpu.memory_space<vmem>>, %arg2: memref<10000x128xf32, #tpu.memory_space<vmem>>) attributes {dimension_semantics = [], scalar_prefetch = 0 : i64, scratch_operands = 0 : i64, tpu.core_type = #tpu.core_type<tc>} {
    %get3A = arith.constant 0 : index
    %get3A_0 = arith.constant 0 : index
    %get3A_1 = vector.load %arg0[%get3A, %get3A_0] : memref<10000x128xf32, #tpu.memory_space<vmem>>, vector<10000x128xf32>
    %get3A_2 = arith.constant 0 : index
    %get3A_3 = arith.constant 0 : index
    %get3A_4 = vector.load %arg1[%get3A_2, %get3A_3] : memref<128x128xf32, #tpu.memory_space<vmem>>, vector<128x128xf32>
    %dot_general3A = arith.constant dense<0.000000e+00> : vector<10000x128xf32>
    %dot_general3A_5 = tpu.matmul %get3A_1, %get3A_4, %dot_general3A {dimension_numbers = #tpu.dot_dimension_numbers<[1], [0], [0], [1], [0, 0, 1, 1], [], []>, transpose_lhs_hint = false} : vector<10000x128xf32>, vector<128x128xf32>, vector<10000x128xf32> -> vector<10000x128xf32>
    %swap3A = arith.constant 0 : index
    %swap3A_6 = arith.constant 0 : index
    %swap3A_7 = vector.load %arg2[%swap3A, %swap3A_6] : memref<10000x128xf32, #tpu.memory_space<vmem>>, vector<10000x128xf32>
    tpu.vector_store %arg2[%swap3A, %swap3A_6], %dot_general3A_5 {strides = array<i32>} : memref<10000x128xf32, #tpu.memory_space<vmem>>, vector<10000x128xf32>,
    return
  }
}

module attributes {stable_mosaic.version = 14 : i64} {
  func.func @_tc_scale_body(%arg0: memref<10000x128xf32, #tpu.memory_space<vmem>>, %arg1: memref<32x10240xf32, #tpu.memory_space<vmem>>, %arg2: memref<10000x128xf32, #tpu.memory_space<vmem>>, %arg3: memref<10000x1xf32, #tpu.memory_space<vmem>>) attributes {dimension_semantics = [], scalar_prefetch = 0 : i64, scratch_operands = 0 : i64, tpu.core_type = #tpu.core_type<tc>} {
    %get3A = arith.constant 0 : index
    %get3A_0 = arith.constant 0 : index
    %get3A_1 = vector.load %arg1[%get3A, %get3A_0] : memref<32x10240xf32, #tpu.memory_space<vmem>>, vector<32x10240xf32>
    %transpose3A = tpu.transpose %get3A_1, [1, 0] : vector<32x10240xf32> -> vector<10240x32xf32>
    %slice3A = vector.extract_strided_slice %transpose3A {offsets = [0, 0], sizes = [10000, 32], strides = [1, 1]} : vector<10240x32xf32> to vector<10000x32xf32>
    %reduce_sum3A = arith.constant dense<0.000000e+00> : vector<10000xf32>
    %reduce_sum3A_2 = vector.multi_reduction <add>, %slice3A, %reduce_sum3A [1] : vector<10000x32xf32> to vector<10000xf32>
    %broadcast_in_dim3A = vector.shape_cast %reduce_sum3A_2 : vector<10000xf32> to vector<10000x1xf32>
    %add3A = arith.constant 1.000000e+00 : f32
    %add3A_3 = vector.broadcast %add3A : f32 to vector<10000x1xf32>
    %add3A_4 = arith.addf %broadcast_in_dim3A, %add3A_3 : vector<10000x1xf32>
    %rsqrt3A = math.rsqrt %add3A_4 : vector<10000x1xf32>
    %swap3A = arith.constant 0 : index
    %swap3A_5 = arith.constant 0 : index
    %swap3A_6 = vector.load %arg3[%swap3A, %swap3A_5] : memref<10000x1xf32, #tpu.memory_space<vmem>>, vector<10000x1xf32>
    tpu.vector_store %arg3[%swap3A, %swap3A_5], %rsqrt3A {strides = array<i32>} : memref<10000x1xf32, #tpu.memory_space<vmem>>, vector<10000x1xf32>,
    %get3A_7 = arith.constant 0 : index
    %get3A_8 = arith.constant 0 : index
    %get3A_9 = vector.load %arg0[%get3A_7, %get3A_8] : memref<10000x128xf32, #tpu.memory_space<vmem>>, vector<10000x128xf32>
    %mul3A = vector.broadcast %rsqrt3A : vector<10000x1xf32> to vector<10000x128xf32>
    %mul3A_10 = arith.mulf %get3A_9, %mul3A : vector<10000x128xf32>
    %swap3A_11 = arith.constant 0 : index
    %swap3A_12 = arith.constant 0 : index
    %swap3A_13 = vector.load %arg2[%swap3A_11, %swap3A_12] : memref<10000x128xf32, #tpu.memory_space<vmem>>, vector<10000x128xf32>
    tpu.vector_store %arg2[%swap3A_11, %swap3A_12], %mul3A_10 {strides = array<i32>} : memref<10000x128xf32, #tpu.memory_space<vmem>>, vector<10000x128xf32>,
    return
  }
}

module attributes {stable_mosaic.version = 14 : i64} {
  func.func @_tc_mid_body(%arg0: memref<10240x128xf32, #tpu.memory_space<vmem>>, %arg1: memref<10000x128xf32, #tpu.memory_space<vmem>>, %arg2: memref<10000x1xf32, #tpu.memory_space<vmem>>, %arg3: memref<1x128xf32, #tpu.memory_space<vmem>>, %arg4: memref<1x128xf32, #tpu.memory_space<vmem>>, %arg5: memref<1x128xf32, #tpu.memory_space<vmem>>, %arg6: memref<128x128xf32, #tpu.memory_space<vmem>>, %arg7: memref<10000x128xf32, #tpu.memory_space<vmem>>) attributes {dimension_semantics = [], scalar_prefetch = 0 : i64, scratch_operands = 0 : i64, tpu.core_type = #tpu.core_type<tc>} {
    %get3A = arith.constant 0 : index
    %get3A_0 = arith.constant 0 : index
    %get3A_1 = vector.load %arg2[%get3A, %get3A_0] : memref<10000x1xf32, #tpu.memory_space<vmem>>, vector<10000x1xf32>
    %get3A_2 = arith.constant 0 : index
    %get3A_3 = arith.constant 0 : index
    %get3A_4 = vector.load %arg0[%get3A_2, %get3A_3] : memref<10240x128xf32, #tpu.memory_space<vmem>>, vector<10000x128xf32>
    %get3A_5 = arith.constant 0 : index
    %get3A_6 = arith.constant 0 : index
    %get3A_7 = vector.load %arg1[%get3A_5, %get3A_6] : memref<10000x128xf32, #tpu.memory_space<vmem>>, vector<10000x128xf32>
    %add3A = arith.addf %get3A_4, %get3A_7 : vector<10000x128xf32>
    %mul3A = vector.broadcast %get3A_1 : vector<10000x1xf32> to vector<10000x128xf32>
    %mul3A_8 = arith.mulf %mul3A, %add3A : vector<10000x128xf32>
    %get3A_9 = arith.constant 0 : index
    %get3A_10 = arith.constant 0 : index
    %get3A_11 = vector.load %arg3[%get3A_9, %get3A_10] : memref<1x128xf32, #tpu.memory_space<vmem>>, vector<1x128xf32>
    %add3A_12 = vector.broadcast %get3A_11 : vector<1x128xf32> to vector<10000x128xf32>
    %add3A_13 = arith.addf %mul3A_8, %add3A_12 : vector<10000x128xf32>
    %reduce_sum3A = arith.constant dense<0.000000e+00> : vector<128xf32>
    %reduce_sum3A_14 = vector.multi_reduction <add>, %add3A_13, %reduce_sum3A [0] : vector<10000x128xf32> to vector<128xf32>
    %broadcast_in_dim3A = vector.shape_cast %reduce_sum3A_14 : vector<128xf32> to vector<1x128xf32>
    %div3A = arith.constant 1.000000e+04 : f32
    %div3A_15 = vector.broadcast %div3A : f32 to vector<1x128xf32>
    %div3A_16 = arith.divf %broadcast_in_dim3A, %div3A_15 : vector<1x128xf32>
    %sub3A = vector.broadcast %div3A_16 : vector<1x128xf32> to vector<10000x128xf32>
    %sub3A_17 = arith.subf %add3A_13, %sub3A : vector<10000x128xf32>
    %integer_pow3A = arith.mulf %sub3A_17, %sub3A_17 : vector<10000x128xf32>
    %reduce_sum3A_18 = arith.constant dense<0.000000e+00> : vector<128xf32>
    %reduce_sum3A_19 = vector.multi_reduction <add>, %integer_pow3A, %reduce_sum3A_18 [0] : vector<10000x128xf32> to vector<128xf32>
    %broadcast_in_dim3A_20 = vector.shape_cast %reduce_sum3A_19 : vector<128xf32> to vector<1x128xf32>
    %div3A_21 = arith.constant 1.000000e+04 : f32
    %div3A_22 = vector.broadcast %div3A_21 : f32 to vector<1x128xf32>
    %div3A_23 = arith.divf %broadcast_in_dim3A_20, %div3A_22 : vector<1x128xf32>
    %sub3A_24 = vector.broadcast %div3A_16 : vector<1x128xf32> to vector<10000x128xf32>
    %sub3A_25 = arith.subf %add3A_13, %sub3A_24 : vector<10000x128xf32>
    %add3A_26 = arith.constant 9.99999974E-6 : f32
    %add3A_27 = vector.broadcast %add3A_26 : f32 to vector<1x128xf32>
    %add3A_28 = arith.addf %div3A_23, %add3A_27 : vector<1x128xf32>
    %rsqrt3A = math.rsqrt %add3A_28 : vector<1x128xf32>
    %mul3A_29 = vector.broadcast %rsqrt3A : vector<1x128xf32> to vector<10000x128xf32>
    %mul3A_30 = arith.mulf %sub3A_25, %mul3A_29 : vector<10000x128xf32>
    %get3A_31 = arith.constant 0 : index
    %get3A_32 = arith.constant 0 : index
    %get3A_33 = vector.load %arg4[%get3A_31, %get3A_32] : memref<1x128xf32, #tpu.memory_space<vmem>>, vector<1x128xf32>
    %mul3A_34 = vector.broadcast %get3A_33 : vector<1x128xf32> to vector<10000x128xf32>
    %mul3A_35 = arith.mulf %mul3A_30, %mul3A_34 : vector<10000x128xf32>
    %get3A_36 = arith.constant 0 : index
    %get3A_37 = arith.constant 0 : index
    %get3A_38 = vector.load %arg5[%get3A_36, %get3A_37] : memref<1x128xf32, #tpu.memory_space<vmem>>, vector<1x128xf32>
    %add3A_39 = vector.broadcast %get3A_38 : vector<1x128xf32> to vector<10000x128xf32>
    %add3A_40 = arith.addf %mul3A_35, %add3A_39 : vector<10000x128xf32>
    %max3A = arith.constant 0.000000e+00 : f32
    %max3A_41 = vector.broadcast %max3A : f32 to vector<10000x128xf32>
    %max3A_42 = arith.maximumf %add3A_40, %max3A_41 : vector<10000x128xf32>
    %get3A_43 = arith.constant 0 : index
    %get3A_44 = arith.constant 0 : index
    %get3A_45 = vector.load %arg6[%get3A_43, %get3A_44] : memref<128x128xf32, #tpu.memory_space<vmem>>, vector<128x128xf32>
    %dot_general3A = arith.constant dense<0.000000e+00> : vector<10000x128xf32>
    %dot_general3A_46 = tpu.matmul %max3A_42, %get3A_45, %dot_general3A {dimension_numbers = #tpu.dot_dimension_numbers<[1], [0], [0], [1], [0, 0, 1, 1], [], []>, transpose_lhs_hint = false} : vector<10000x128xf32>, vector<128x128xf32>, vector<10000x128xf32> -> vector<10000x128xf32>
    %mul3A_47 = vector.broadcast %get3A_1 : vector<10000x1xf32> to vector<10000x128xf32>
    %mul3A_48 = arith.mulf %dot_general3A_46, %mul3A_47 : vector<10000x128xf32>
    %swap3A = arith.constant 0 : index
    %swap3A_49 = arith.constant 0 : index
    %swap3A_50 = vector.load %arg7[%swap3A, %swap3A_49] : memref<10000x128xf32, #tpu.memory_space<vmem>>, vector<10000x128xf32>
    tpu.vector_store %arg7[%swap3A, %swap3A_49], %mul3A_48 {strides = array<i32>} : memref<10000x128xf32, #tpu.memory_space<vmem>>, vector<10000x128xf32>,
    return
  }
}

module attributes {stable_mosaic.version = 14 : i64} {
  func.func @_tc_fin_body(%arg0: memref<10240x128xf32, #tpu.memory_space<vmem>>, %arg1: memref<10000x128xf32, #tpu.memory_space<vmem>>, %arg2: memref<10000x1xf32, #tpu.memory_space<vmem>>, %arg3: memref<1x128xf32, #tpu.memory_space<vmem>>, %arg4: memref<10000x128xf32, #tpu.memory_space<vmem>>) attributes {dimension_semantics = [], scalar_prefetch = 0 : i64, scratch_operands = 0 : i64, tpu.core_type = #tpu.core_type<tc>} {
    %get3A = arith.constant 0 : index
    %get3A_0 = arith.constant 0 : index
    %get3A_1 = vector.load %arg2[%get3A, %get3A_0] : memref<10000x1xf32, #tpu.memory_space<vmem>>, vector<10000x1xf32>
    %get3A_2 = arith.constant 0 : index
    %get3A_3 = arith.constant 0 : index
    %get3A_4 = vector.load %arg0[%get3A_2, %get3A_3] : memref<10240x128xf32, #tpu.memory_space<vmem>>, vector<10000x128xf32>
    %get3A_5 = arith.constant 0 : index
    %get3A_6 = arith.constant 0 : index
    %get3A_7 = vector.load %arg1[%get3A_5, %get3A_6] : memref<10000x128xf32, #tpu.memory_space<vmem>>, vector<10000x128xf32>
    %add3A = arith.addf %get3A_4, %get3A_7 : vector<10000x128xf32>
    %mul3A = vector.broadcast %get3A_1 : vector<10000x1xf32> to vector<10000x128xf32>
    %mul3A_8 = arith.mulf %mul3A, %add3A : vector<10000x128xf32>
    %get3A_9 = arith.constant 0 : index
    %get3A_10 = arith.constant 0 : index
    %get3A_11 = vector.load %arg3[%get3A_9, %get3A_10] : memref<1x128xf32, #tpu.memory_space<vmem>>, vector<1x128xf32>
    %add3A_12 = vector.broadcast %get3A_11 : vector<1x128xf32> to vector<10000x128xf32>
    %add3A_13 = arith.addf %mul3A_8, %add3A_12 : vector<10000x128xf32>
    %swap3A = arith.constant 0 : index
    %swap3A_14 = arith.constant 0 : index
    %swap3A_15 = vector.load %arg4[%swap3A, %swap3A_14] : memref<10000x128xf32, #tpu.memory_space<vmem>>, vector<10000x128xf32>
    tpu.vector_store %arg4[%swap3A, %swap3A_14], %add3A_13 {strides = array<i32>} : memref<10000x128xf32, #tpu.memory_space<vmem>>, vector<10000x128xf32>,
    return
  }
}

</mosaic_0001>

<sc_bundles>
// kernel: kernel.12.cloned.1.call-start
scs
__scs_entry_jumppad:
0x0: {  	(pc) =	sbr.rel $0x88, $3  }
0x1: {  	(tag) =	ssettag $0x0;
	lr =	simm.s32 $0x1  }
0x2: {  	[smem:$0x3F99] =	sst lr;
	_ =	strace $0xD0000000  }
0x3: {  	_ = 	snop  }
0x4: {  	_ = 	snop  }
0x5: {  	_ = 	snop  }
0x6: {  	_ = 	snop  }
0x7: {  	_ = 	snop  }
__scs_overlays_trampoline_lowered:
0x8: {  	[smem:$0x3FA8] =	sst s0  }
0x9: {  	[smem:$0x3FA9] =	sst s1  }
0xa: {  	[smem:$0x3FAA] =	sst s2  }
0xb: {  	[smem:$0x3FAB] =	sst s3  }
0xc: {  	[smem:$0x3FAC] =	sst s4  }
0xd: {  	[smem:$0x3FAD] =	sst s5  }
0xe: {  	[smem:$0x3FAE] =	sst s6  }
0xf: {  	[smem:$0x3FAF] =	sst s7  }
0x10: {  	[smem:$0x3FB0] =	sst s8  }
0x11: {  	[smem:$0x3FB1] =	sst s9;
	s0 =	simm.s32 @!p0 $0x0  }
0x12: {  	s1 =	sld [smem:$0x3F97];
	s0 =	simm.s32 @p0 $0x1  }
0x13: {  	[smem:$0x3FB2] =	sst s0;
	s0 =	simm.s32 @!p1 $0x0  }
0x14: {  	s2 =	sld [smem:$0x3F96];
	s0 =	simm.s32 @p1 $0x1  }
0x15: {  	[smem:$0x3FB3] =	sst s0;
	s0 =	simm.s32 @!p2 $0x0  }
0x16: {  	s3 =	sld [smem:$0x3FDB];
	s0 =	simm.s32 @p2 $0x1  }
0x17: {  	s4 =	simm.s32 $0x1BF5;
	[smem:$0x3FB5] =	sst s0  }
0x18: {  	s0 =	sld [smem:$0x3F98];
	_ =	swait.ge [sflag:s4], $0x0  }
0x19: {  	s7 =	sld [smem:$0x3F99]  }
0x1a: {  	s8 =	sadd.s32 $0xFFFFE003, lr  }
0x1b: {  	s9 =	sadd.s32 $0xFFFFFEF7, lr;
	s5 =	simm.s32 $0xFFFFFFFF;
	p2 =	slt.u32 s8, $0xFFFFF086  }
0x1c: {  	p1 =	slt.u32 s9, $0xF7A;
	s5 =	simm.s32 @!p2 $0x0  }
0x1d: {  	s5 =	simm.s32 @p1 $0x1;
	p0 =	seq.s32 s7, s2  }
0x1e: {  	s7 =	smul.u32 @!p0 $0xF7A, s2;
	p2 =	seq.s32 @!p0 s5, $0x0  }
0x1f: {  	s9 =	smul.u32 $0xF7A, s1;
	s8 =	simm.s32 @!p0 $0x1BF5;
	p2 =	por !p2, p0  }
0x20: {  	[sflag:s8] =	ssyncset.s32 @!p0 $0xFFFFF086;
	s6 =	sadd.s32 @!p0 s3, s7;
	s7 =	simm.s32 @!p0 $0x108  }
0x21: {  	s3 =	sadd.s32 s3, s9;
	s6 =	sadd.s32 @!p0 $0x88, s6;
	s7 =	simm.s32 @p2 $0x1082  }
0x22: {  	[simem:s7], [sflag:s8] =	dma.local @!p0 [hbm:s6], $0xF7A  }
0x23: {  	s9 =	sor.u32 $0xD0000000, s2;
	s6 =	simm.s32 $0x108;
	_ =	swait.ge @!p0 [sflag:s8], $0x0  }
0x24: {  	s3 =	sadd.s32 $0x88, s3;
	s6 =	simm.s32 @!p1 $0x1082;
	[sflag:s4] =	ssyncset.s32 $0xFFFFF086  }
0x25: {  	[simem:s6], [sflag:s4] =	dma.local [hbm:s3], $0xF7A  }
0x26: {  	[smem:$0x3F99] =	sst s1;
	(tag) =	ssettag s2;
	_ =	strace s9  }
0x27: {  	s1 =	sld [smem:$0x3FA9]  }
0x28: {  	s2 =	sld [smem:$0x3FAA]  }
0x29: {  	s4 =	sld [smem:$0x3FAC]  }
0x2a: {  	p0 =	seq.s32 s5, $0x0;
	s5 =	sld [smem:$0x3FAD]  }
0x2b: {  	s6 =	sld [smem:$0x3FAE]  }
0x2c: {  	s7 =	sld [smem:$0x3FAF]  }
0x2d: {  	s3 =	simm.s32 $0x108;
	s8 =	sld [smem:$0x3FB0]  }
0x2e: {  	s3 =	simm.s32 @!p0 $0x1082;
	s9 =	sld [smem:$0x3FB1]  }
0x2f: {  	lr =	sadd.s32 s0, s3;
	s0 =	sld [smem:$0x3FA8]  }
0x30: {  	s3 =	sld [smem:$0x3FAB]  }
0x31: {  	[smem:$0x3FB4] =	sst s10  }
0x32: {  	s10 =	sld [smem:$0x3FB2];
	_ =	sdelay $0x3  }
0x33: {  	p0 =	seq.s32 s10, $0x1;
	s10 =	sld [smem:$0x3FB4];
	_ =	sdelay $0x3  }
0x34: {  	[smem:$0x3FB4] =	sst s10  }
0x35: {  	s10 =	sld [smem:$0x3FB3];
	_ =	sdelay $0x3  }
0x36: {  	p1 =	seq.s32 s10, $0x1;
	s10 =	sld [smem:$0x3FB4];
	_ =	sdelay $0x3  }
0x37: {  	[smem:$0x3FB4] =	sst s10  }
0x38: {  	s10 =	sld [smem:$0x3FB5]  }
0x39: {  	_ = 	snop;
	(pc) =	sbr.ind lr, $3  }
0x3a: {  	_ = 	snop  }
0x3b: {  	_ = 	snop  }
0x3c: {  	p2 =	seq.s32 s10, $0x1;
	s10 =	sld [smem:$0x3FB4]  }
0x3d: {  	_ =	shalt  }
0x3e: {  	_ =	shalt  }
0x3f: {  	_ =	shalt  }
0x40: {  	_ =	shalt  }
0x41: {  	_ =	shalt  }
0x42: {  	_ =	shalt  }
0x43: {  	_ =	shalt  }
0x44: {  	_ =	shalt  }
0x45: {  	_ =	shalt  }
0x46: {  	_ =	shalt  }
0x47: {  	_ =	shalt  }
0x48: {  	_ =	shalt  }
0x49: {  	_ =	shalt  }
0x4a: {  	_ =	shalt  }
0x4b: {  	_ =	shalt  }
0x4c: {  	_ =	shalt  }
0x4d: {  	_ =	shalt  }
0x4e: {  	_ =	shalt  }
0x4f: {  	_ =	shalt  }
0x50: {  	_ =	shalt  }
0x51: {  	_ =	shalt  }
0x52: {  	_ =	shalt  }
0x53: {  	_ =	shalt  }
0x54: {  	_ =	shalt  }
0x55: {  	_ =	shalt  }
0x56: {  	_ =	shalt  }
0x57: {  	_ =	shalt  }
0x58: {  	_ =	shalt  }
0x59: {  	_ =	shalt  }
0x5a: {  	_ =	shalt  }
0x5b: {  	_ =	shalt  }
0x5c: {  	_ =	shalt  }
0x5d: {  	_ =	shalt  }
0x5e: {  	_ =	shalt  }
0x5f: {  	_ =	shalt  }
0x60: {  	_ =	shalt  }
0x61: {  	_ =	shalt  }
0x62: {  	_ =	shalt  }
0x63: {  	_ =	shalt  }
0x64: {  	_ =	shalt  }
0x65: {  	_ =	shalt  }
0x66: {  	_ =	shalt  }
0x67: {  	_ =	shalt  }
0x68: {  	_ =	shalt  }
0x69: {  	_ =	shalt  }
0x6a: {  	_ =	shalt  }
0x6b: {  	_ =	shalt  }
0x6c: {  	_ =	shalt  }
0x6d: {  	_ =	shalt  }
0x6e: {  	_ =	shalt  }
0x6f: {  	_ =	shalt  }
0x70: {  	_ =	shalt  }
0x71: {  	_ =	shalt  }
0x72: {  	_ =	shalt  }
0x73: {  	_ =	shalt  }
0x74: {  	_ =	shalt  }
0x75: {  	_ =	shalt  }
0x76: {  	_ =	shalt  }
0x77: {  	_ =	shalt  }
0x78: {  	_ =	shalt  }
0x79: {  	_ =	shalt  }
0x7a: {  	_ =	shalt  }
0x7b: {  	_ =	shalt  }
0x7c: {  	_ =	shalt  }
0x7d: {  	_ =	shalt  }
0x7e: {  	_ =	shalt  }
0x7f: {  	_ =	shalt  }
0x80: {  	_ =	shalt  }
0x81: {  	_ =	shalt  }
0x82: {  	_ =	shalt  }
0x83: {  	_ =	shalt  }
0x84: {  	_ =	shalt  }
0x85: {  	_ =	shalt  }
0x86: {  	_ =	shalt  }
0x87: {  	_ =	shalt  }
.Lfunc_end0:
.L_simem_size_0:
called_computation.1_lowered:
.L_overlay_start_0:
0x88: {  	s2 =	sld [smem:$0x3FD9]  }
0x89: {  	s3 =	sld [smem:$0x3FFE];
	_ =	sdelay $0x1  }
0x8a: {  	s1 =	srdreg.scid  }
0x8b: {  	s0 =	sand.u32 $0x1, s1  }
0x8c: {  	s17 =	sshll.u32 s0, $0xA;
	s2 =	sadd.s32 s3, s2  }
0x8d: {  	s2 =	sadd.s32 s2, s17  }
0x8e: {  	[smem:$0x3FC0] =	sst s2  }
0x8f: {  	_ = 	snop  }
0x90: {  	s2 =	sld [smem:$0x3FD0];
	(tm) =	ssettm $0x1  }
0x91: {  	s18 =	sld [smem:$0x3FFB];
	_ =	sdelay $0x3  }
0x92: {  	_ =	strace s18  }
0x93: {  	s3 =	sld [smem:$0x3FFC];
	_ =	sdelay $0x3  }
0x94: {  	_ =	strace s3  }
0x95: {  	s3 =	sld [smem:$0x3FFD];
	_ =	sdelay $0x3  }
0x96: {  	_ =	strace s3  }
0x97: {  	_ =	strace $0x8FFFFFFF  }
0x98: {  	s19 =	sld [smem:$0x3FDB];
	_ =	sdelay $0x1  }
0x99: {  	s4 =	simm.s32 $_scs_section_size  }
0x9a: {  	s5 =	simm.s32 $_size__tile_overlayer_lowered;
	s6 =	simm.s32 $_tile_overlayer_lowered  }
0x9b: {  	s22 =	simm.s32 $0x1BFF;
	s21 =	sshll.u32 s6, $0x1;
	s3 =	sadd.s32 s4, s19  }
0x9c: {  	s7 =	simm.s32 $0x0;
	s20 =	sshll.u32 s5, $0x1;
	s5 =	sadd.s32 s21, s3  }
0x9d: {  	[timem:s7], [sflag:s22] =	dma.local [hbm:s5], s20  }
0x9e: {  	_ =	swait.ge [sflag:s22], s20  }
0x9f: {  	s4 =	ssub.s32 $0x0, s20;
	[sflag:s22] =	ssyncset.done $0x0  }
0xa0: {  	[sflag:s22] =	ssyncadd.s32 s4;
	_ =	sdelay $0x1  }
0xa1: {  	s23 =	simm.s32 $0x1B8B  }
0xa2: {  	_ =	swait.ge [sflag:s23], $0x1  }
0xa3: {  	[sflag:s23] =	ssyncset.done $0x0  }
0xa4: {  	s25 =	simm.s32 $0x1B8E;
	s24 =	sld [smem:$0x3FFE];
	[sflag:s23] =	ssyncadd.s32 $0xFFFFFFFF  }
0xa5: {  	s26 =	simm.s32 $execute0_lowered;
	[smem:$0x3FD2] =	sst s25  }
0xa6: {  	s5 =	sshll.u32 s26, $0x1;
	_ =	strace $0x80000049;
	[dreg:$0x1] =	wrdreg $0xFFFFFFFF  }
0xa7: {  	s28 =	simm.s32 $_size_execute0_lowered;
	s3 =	sadd.s32 s3, s5;
	[dreg:$0x0] =	wrdreg $0x0  }
0xa8: {  	s5 =	sshll.u32 s28, $0x1;
	[dreg:$0x2] =	wrdreg s3  }
0xa9: {  	[dreg:$0x3] =	wrdreg s5  }
0xaa: {  	[dreg:$0x4] =	wrdreg $0xC0  }
0xab: {  	_ =	task [dreg:s7], $0x5FFFF  }
0xac: {  	[dreg:$0x1] =	wrdreg $0xFFFFFFFF  }
0xad: {  	[dreg:$0x0] =	wrdreg $0x60  }
0xae: {  	[dreg:$0x2] =	wrdreg s2  }
0xaf: {  	[dreg:$0x3] =	wrdreg s24  }
0xb0: {  	[dreg:$0x4] =	wrdreg $0x106800  }
0xb1: {  	[dreg:$0x5] =	wrdreg $0x9  }
0xb2: {  	_ =	task.clear_ibuf [dreg:s7], $0x6FFFF;
	_ =	strace $0x90000049  }
0xb3: {  	s29 =	simm.s32 $0x9;
	_ =	strace $0x8000004B  }
0xb4: {  	_ =	swait.ge [sflag:s29], $0x1  }
0xb5: {  	[sflag:s29] =	ssyncadd.s32 $0xFFFFFFFF  }
0xb6: {  	_ =	strace $0x9000004B  }
0xb7: {  	_ =	sfence  }
0xb8: {  	s30 =	sld [smem:$0x0];
	_ =	sdelay $0x2  }
0xb9: {  	s31 =	sshll.u32 s1, $0xD;
	s1 =	sshrl.u32 s1, $0x2  }
0xba: {  	s3 =	sand.u32 $0x4000, s31;
	s1 =	sadd.s32 s1, s30  }
0xbb: {  	s0 =	sor.u32 s3, s0;
	s1 =	sshll.u32 s1, $0x11  }
0xbc: {  	s0 =	sor.u32 s1, s0  }
0xbd: {  	s0 =	sadd.s32 $0x8F2B, s0  }
0xbe: {  	[sflag:s0] =	ssyncadd.remote.s32 $0x1  }
0xbf: {  	_ =	sfence.sel $0xFFFF  }
0xc0: {  	[dreg:$0x0] =	wrdreg $0xFFFFFFFF;
	(pc) =	sbr.abs _section_cstart, $3  }
0xc1: {  	[dreg:$0x1] =	wrdreg $0xFFFFFFFF  }
0xc2: {  	_ =	task.clear_ibuf [dreg:s7], $0x2FFFF;
	_ =	strace $0x9FFFFFFF  }
0xc3: {  	(tm) =	ssettm $0x7FFFFFFF  }
tec
execute0_lowered:
.L_overlay_start_1:
0x0: {  	(tag) =	ssettag $0x1  }
0x1: {  	s1 =	rddreg [dreg:$0x0]  }
0x2: {  	s0 =	srdreg.scid;
	s2 =	rddreg [dreg:$0x1]  }
0x3: {  	s12 =	stileid.u32;
	s3 =	rddreg [dreg:$0x2]  }
0x4: {  	s14 =	simm.s32 $0x64;
	s15 =	simm.s32 $0xA280;
	s17 =	simm.s32 $0xBB80  }
0x5: {  	s19 =	simm.s32 $0xD480;
	s21 =	simm.s32 $0xED80;
	s22 =	simm.s32 $0x1  }
0x6: {  	s23 =	simm.s32 $0x2;
	s24 =	simm.s32 $0x3;
	s25 =	simm.s32 $0x4  }
0x7: {  	s28 =	simm.s32 $0x6;
	s29 =	simm.s32 $0x7;
	s6 =	smul.u32 $0xA28, s12  }
0x8: {  	s30 =	simm.s32 $0x8;
	s16 =	simm.s32 $0x10;
	s7 =	smul.u32 $0x14000, s12  }
0x9: {  	s18 =	simm.s32 $0x0;
	s0 =	sand.u32 $0x1, s0;
	s8 =	smul.u32 $0xA000, s12  }
0xa: {  	s31 =	sshll.u32 s12, $0x6;
	s4 =	sshll.u32 s0, $0x4;
	s9 =	sshll.u32 s0, $0x6  }
0xb: {  	s0 =	ssub.s32 $0x2, s0;
	s5 =	sor.u32 s12, s4;
	s4 =	simm.s32 $0x0  }
0xc: {  	s6 =	sadd.s32 s6, s2;
	s7 =	sor.u32 s9, s7;
	s26 =	sshrl.u32 s8, $0x3  }
0xd: {  	s10 =	sshrl.u32 s0, $0x1;
	s11 =	sadd.s32 s8, s3;
	s12 =	sor.u32 $0x1C09, s31  }
0xe: {  	s5 =	smul.u32 $0xA28, s5;
	[smem:$0x7FF] =	sst s4;
	s7 =	sshrl.u32 s7, $0x3  }
0xf: {  	s9 =	sadd.s32 s26, s2;
	s0 =	ssub.s32 s0, s10;
	s6 =	sadd.s32 $0x66A00, s6  }
0x10: {  	s10 =	simm.s32 $0x9;
	s13 =	sshrl.u32 s11, $0x3;
	s26 =	simm.s32 $0x5  }
0x11: {  	s11 =	simm.s32 $0xA218;
	_ =	strace $0x8000004A;
	s5 =	sadd.s32 s5, s2  }
0x12: {  	s2 =	sadd.s32 s7, s2;
	s7 =	sadd.s32 $0x3400, s9;
	s9 =	smax.u32 s0, $0x1  }
0x13: {  	s0 =	simm.s32 $0xA1B0;
	s5 =	sadd.s32 $0x52400, s5;
	s8 =	sadd.s32 $0x17400, s2  }
.LBB2_1:
0x14: {  	[tilespmem:s4], [sflag:$0x9] =	stream.linear.gather [hbm4b:s5+s4], $0x5140, $0x38;
	[tilespmem:$0x1A680] =	vst v63  }
0x15: {  	_ =	swait.ge [sflag:s10], $0x5140  }
0x16: {  	[sflag:s10] =	ssyncset.done $0x0  }
0x17: {  	s2 =	simm.s32 $0x5140;
	[sflag:s10] =	ssyncadd.s32 $0xFFFFAEC0  }
0x18: {  	[tilespmem:s2], [sflag:$0x9] =	stream.linear.gather [hbm4b:s6+s4], $0x5140, $0x38;
	[tilespmem:$0x1A680] =	vst v63  }
0x19: {  	_ =	swait.ge [sflag:s10], $0x5140  }
0x1a: {  	[sflag:s10] =	ssyncset.done $0x0  }
0x1b: {  	[sflag:s10] =	ssyncadd.s32 $0xFFFFAEC0  }
0x1c: {  	[spmem:s13], [sflag:s12] =	dma.local [hbm:s7], $0x1400  }
0x1d: {  	_ =	swait.ge [sflag:s10], $0x1400  }
0x1e: {  	[sflag:s10] =	ssyncset.done $0x0  }
0x1f: {  	[sflag:s10] =	ssyncadd.s32 $0xFFFFEC00  }
0x20: {  	[bflag:$0x0] =	sbarrier.arrive $0xFFFF  }
0x21: {  	[tilespmem:s15], [sflag:$0x1] =	stream.indirect.gather [hbm4b:s1+s14], $0x40, s4, s14, $0xb8;
	[tilespmem:$0x1A680] =	vst v63  }
0x22: {  	s20 =	simm.s32 $0x68  }
0x23: {  	[tilespmem:s17], [sflag:$0x2] =	stream.indirect.gather [hbm4b:s1+s14], $0x40, s20, s14, $0xb8;
	[tilespmem:$0x1A680] =	vst v63  }
0x24: {  	s20 =	simm.s32 $0xD0  }
0x25: {  	[tilespmem:s19], [sflag:$0x3] =	stream.indirect.gather [hbm4b:s1+s14], $0x40, s20, s14, $0xb8;
	[tilespmem:$0x1A680] =	vst v63  }
0x26: {  	s20 =	simm.s32 $0x138  }
0x27: {  	[tilespmem:s21], [sflag:$0x4] =	stream.indirect.gather [hbm4b:s1+s14], $0x40, s20, s14, $0xb8;
	[tilespmem:$0x1A680] =	vst v63  }
0x28: {  	_ =	swait.ge [sflag:s22], $0x1900  }
0x29: {  	[sflag:s22] =	ssyncset.done $0x0  }
0x2a: {  	s20 =	simm.s32 $0x5140;
	[sflag:s22] =	ssyncadd.s32 $0xFFFFE700  }
0x2b: {  	[spmem:s3] =	stream.indirect.scatter.add.f32 [tilespmem:s15], [sflag:$0x5], $0x40, s20, s14, $0xb8;
	[tilespmem:$0x1A680] =	vst v63  }
0x2c: {  	_ =	swait.ge [sflag:s23], $0x1900  }
0x2d: {  	[sflag:s23] =	ssyncset.done $0x0  }
0x2e: {  	s2 =	simm.s32 $0x51A8;
	[sflag:s23] =	ssyncadd.s32 $0xFFFFE700  }
0x2f: {  	[spmem:s3] =	stream.indirect.scatter.add.f32 [tilespmem:s17], [sflag:$0x6], $0x40, s2, s14, $0xb8;
	[tilespmem:$0x1A680] =	vst v63  }
0x30: {  	_ =	swait.ge [sflag:s24], $0x1900  }
0x31: {  	[sflag:s24] =	ssyncset.done $0x0  }
0x32: {  	s2 =	simm.s32 $0x5210;
	[sflag:s24] =	ssyncadd.s32 $0xFFFFE700  }
0x33: {  	[spmem:s3] =	stream.indirect.scatter.add.f32 [tilespmem:s19], [sflag:$0x7], $0x40, s2, s14, $0xb8;
	[tilespmem:$0x1A680] =	vst v63  }
0x34: {  	_ =	swait.ge [sflag:s25], $0x1900  }
0x35: {  	[sflag:s25] =	ssyncset.done $0x0  }
0x36: {  	s2 =	simm.s32 $0x5278;
	[sflag:s25] =	ssyncadd.s32 $0xFFFFE700  }
0x37: {  	[spmem:s3] =	stream.indirect.scatter.add.f32 [tilespmem:s21], [sflag:$0x8], $0x40, s2, s14, $0xb8;
	[tilespmem:$0x1A680] =	vst v63  }
0x38: {  	_ =	swait.ge [sflag:s26], $0x1900  }
0x39: {  	[sflag:s26] =	ssyncset.done $0x0  }
0x3a: {  	s2 =	simm.s32 $0x1A0;
	[sflag:s26] =	ssyncadd.s32 $0xFFFFE700  }
0x3b: {  	[tilespmem:s15], [sflag:$0x1] =	stream.indirect.gather [hbm4b:s1+s14], $0x40, s2, s14, $0xb8;
	[tilespmem:$0x1A680] =	vst v63  }
0x3c: {  	_ =	swait.ge [sflag:s28], $0x1900  }
0x3d: {  	[sflag:s28] =	ssyncset.done $0x0  }
0x3e: {  	s2 =	simm.s32 $0x208;
	[sflag:s28] =	ssyncadd.s32 $0xFFFFE700  }
0x3f: {  	[tilespmem:s17], [sflag:$0x2] =	stream.indirect.gather [hbm4b:s1+s14], $0x40, s2, s14, $0xb8;
	[tilespmem:$0x1A680] =	vst v63  }
0x40: {  	_ =	swait.ge [sflag:s29], $0x1900  }
0x41: {  	[sflag:s29] =	ssyncset.done $0x0  }
0x42: {  	s2 =	simm.s32 $0x270;
	[sflag:s29] =	ssyncadd.s32 $0xFFFFE700  }
0x43: {  	[tilespmem:s19], [sflag:$0x3] =	stream.indirect.gather [hbm4b:s1+s14], $0x40, s2, s14, $0xb8;
	[tilespmem:$0x1A680] =	vst v63  }
0x44: {  	_ =	swait.ge [sflag:s30], $0x1900  }
0x45: {  	[sflag:s30] =	ssyncset.done $0x0  }
0x46: {  	s31 =	simm.s32 $0x2D8;
	s20 =	simm.s32 $0x680;
	[sflag:s30] =	ssyncadd.s32 $0xFFFFE700  }
.LBB2_2:
0x47: {  	[tilespmem:s21], [sflag:$0x4] =	stream.indirect.gather [hbm4b:s1+s14], $0x40, s31, s14, $0xb8;
	[tilespmem:$0x1A680] =	vst v63  }
0x48: {  	s31 =	smov.u32 s20  }
0x49: {  	p0 =	sne.s32 s20, $0x13800;
	s20 =	sadd.s32 $0x680, s20;
	_ =	swait.ge [sflag:s22], $0x1900  }
0x4a: {  	s31 =	sshra.s32 s31, $0x2;
	[sflag:s22] =	ssyncset.done $0x0  }
0x4b: {  	s2 =	sadd.s32 $0x5140, s31;
	[sflag:s22] =	ssyncadd.s32 $0xFFFFE700  }
0x4c: {  	[spmem:s3] =	stream.indirect.scatter.add.f32 [tilespmem:s15], [sflag:$0x5], $0x40, s2, s14, $0xb8;
	[tilespmem:$0x1A680] =	vst v63  }
0x4d: {  	_ =	swait.ge [sflag:s23], $0x1900  }
0x4e: {  	[sflag:s23] =	ssyncset.done $0x0  }
0x4f: {  	s2 =	sadd.s32 $0x51A8, s31;
	[sflag:s23] =	ssyncadd.s32 $0xFFFFE700  }
0x50: {  	[spmem:s3] =	stream.indirect.scatter.add.f32 [tilespmem:s17], [sflag:$0x6], $0x40, s2, s14, $0xb8;
	[tilespmem:$0x1A680] =	vst v63  }
0x51: {  	_ =	swait.ge [sflag:s24], $0x1900  }
0x52: {  	[sflag:s24] =	ssyncset.done $0x0  }
0x53: {  	s2 =	sadd.s32 $0x5210, s31;
	[sflag:s24] =	ssyncadd.s32 $0xFFFFE700  }
0x54: {  	[spmem:s3] =	stream.indirect.scatter.add.f32 [tilespmem:s19], [sflag:$0x7], $0x40, s2, s14, $0xb8;
	[tilespmem:$0x1A680] =	vst v63  }
0x55: {  	_ =	swait.ge [sflag:s25], $0x1900  }
0x56: {  	[sflag:s25] =	ssyncset.done $0x0  }
0x57: {  	s2 =	sadd.s32 $0x5278, s31;
	[sflag:s25] =	ssyncadd.s32 $0xFFFFE700  }
0x58: {  	[spmem:s3] =	stream.indirect.scatter.add.f32 [tilespmem:s21], [sflag:$0x8], $0x40, s2, s14, $0xb8;
	[tilespmem:$0x1A680] =	vst v63  }
0x59: {  	_ =	swait.ge [sflag:s26], $0x1900  }
0x5a: {  	[sflag:s26] =	ssyncset.done $0x0  }
0x5b: {  	s2 =	sadd.s32 $0x1A0, s31;
	[sflag:s26] =	ssyncadd.s32 $0xFFFFE700  }
0x5c: {  	[tilespmem:s15], [sflag:$0x1] =	stream.indirect.gather [hbm4b:s1+s14], $0x40, s2, s14, $0xb8;
	[tilespmem:$0x1A680] =	vst v63  }
0x5d: {  	_ =	swait.ge [sflag:s28], $0x1900  }
0x5e: {  	[sflag:s28] =	ssyncset.done $0x0  }
0x5f: {  	s2 =	sadd.s32 $0x208, s31;
	[sflag:s28] =	ssyncadd.s32 $0xFFFFE700  }
0x60: {  	[tilespmem:s17], [sflag:$0x2] =	stream.indirect.gather [hbm4b:s1+s14], $0x40, s2, s14, $0xb8;
	[tilespmem:$0x1A680] =	vst v63  }
0x61: {  	_ =	swait.ge [sflag:s29], $0x1900  }
0x62: {  	[sflag:s29] =	ssyncset.done $0x0  }
.Ltmp0:
0x63: {  	s2 =	sadd.s32 $0x270, s31;
	[sflag:s29] =	ssyncadd.s32 $0xFFFFE700;
	(pc) =	sbr.rel @p0 .LBB2_2-.Ltmp0, $4  }
0x64: {  	[tilespmem:s19], [sflag:$0x3] =	stream.indirect.gather [hbm4b:s1+s14], $0x40, s2, s14, $0xb8;
	[tilespmem:$0x1A680] =	vst v63  }
0x65: {  	_ =	swait.ge [sflag:s30], $0x1900  }
0x66: {  	[sflag:s30] =	ssyncset.done $0x0  }
0x67: {  	s31 =	sadd.s32 $0x2D8, s31;
	[sflag:s30] =	ssyncadd.s32 $0xFFFFE700  }
0x68: {  	[tilespmem:s21], [sflag:$0x4] =	stream.indirect.gather [hbm4b:s1+s14], $0x40, s31, s14, $0xb8;
	[tilespmem:$0x1A680] =	vst v63  }
0x69: {  	_ =	swait.ge [sflag:s22], $0x1900  }
0x6a: {  	[sflag:s22] =	ssyncset.done $0x0  }
0x6b: {  	s2 =	simm.s32 $0xA0E0;
	[sflag:s22] =	ssyncadd.s32 $0xFFFFE700  }
0x6c: {  	[spmem:s3] =	stream.indirect.scatter.add.f32 [tilespmem:s15], [sflag:$0x5], $0x40, s2, s14, $0xb8;
	[tilespmem:$0x1A680] =	vst v63  }
0x6d: {  	_ =	swait.ge [sflag:s23], $0x1900  }
0x6e: {  	[sflag:s23] =	ssyncset.done $0x0  }
0x6f: {  	s31 =	simm.s32 $0xA148;
	[sflag:s23] =	ssyncadd.s32 $0xFFFFE700  }
0x70: {  	[spmem:s3] =	stream.indirect.scatter.add.f32 [tilespmem:s17], [sflag:$0x6], $0x40, s31, s14, $0xb8;
	[tilespmem:$0x1A680] =	vst v63  }
0x71: {  	_ =	swait.ge [sflag:s24], $0x1900  }
0x72: {  	[sflag:s24] =	ssyncset.done $0x0  }
0x73: {  	[sflag:s24] =	ssyncadd.s32 $0xFFFFE700  }
0x74: {  	[spmem:s3] =	stream.indirect.scatter.add.f32 [tilespmem:s19], [sflag:$0x7], $0x40, s0, s14, $0xb8;
	[tilespmem:$0x1A680] =	vst v63  }
0x75: {  	_ =	swait.ge [sflag:s25], $0x1900  }
0x76: {  	[sflag:s25] =	ssyncset.done $0x0  }
0x77: {  	[sflag:s25] =	ssyncadd.s32 $0xFFFFE700  }
0x78: {  	[spmem:s3] =	stream.indirect.scatter.add.f32 [tilespmem:s21], [sflag:$0x8], $0x40, s11, s14, $0xb8;
	[tilespmem:$0x1A680] =	vst v63  }
0x79: {  	_ =	swait.ge [sflag:s26], $0x1900  }
0x7a: {  	[sflag:s26] =	ssyncset.done $0x0  }
0x7b: {  	[sflag:s26] =	ssyncadd.s32 $0xFFFFE700  }
0x7c: {  	_ =	swait.ge [sflag:s28], $0x1900  }
0x7d: {  	[sflag:s28] =	ssyncset.done $0x0  }
0x7e: {  	[sflag:s28] =	ssyncadd.s32 $0xFFFFE700  }
0x7f: {  	_ =	swait.ge [sflag:s29], $0x1900  }
0x80: {  	[sflag:s29] =	ssyncset.done $0x0  }
0x81: {  	[sflag:s29] =	ssyncadd.s32 $0xFFFFE700  }
0x82: {  	_ =	swait.ge [sflag:s30], $0x1900  }
0x83: {  	s18 =	sadd.s32 $0x1, s18;
	[sflag:s30] =	ssyncset.done $0x0  }
0x84: {  	p0 =	sne.s32 s18, s9;
	[sflag:s30] =	ssyncadd.s32 $0xFFFFE700  }
.Ltmp1:
0x85: {  	[bflag:$0x0] =	sbarrier.arrive $0xFFFF;
	(pc) =	sbr.rel @p0 .LBB2_1-.Ltmp1, $4  }
0x86: {  	[hbm:s8@s16], [sflag:s12] =	dma.strided [spmem:s13@s30], $0x1400, s22, $0x8   }
0x87: {  	_ =	swait.ge [sflag:s10], $0x1400  }
0x88: {  	[sflag:s10] =	ssyncset.done $0x0  }
0x89: {  	[sflag:s10] =	ssyncadd.s32 $0xFFFFEC00  }
0x8a: {  	_ =	sfence.sel $0x180000  }
0x8b: {  	[bflag:$0x0] =	sbarrier.arrive $0xFFFF  }
0x8c: {  	_ =	strace $0x9000004A  }
0x8d: {  	s0 =	stileid.u32;
	[bflag:$0x2] =	sbarrier.arrive $0xFFFF  }
0x8e: {  	p0 =	sne.s32 s0, $0x0;
	s0 =	rddreg [dreg:$0x3]  }
0x8f: {  	s0 =	sadd.s32 @!p0 $0x100000, s0  }
0x90: {  	[sflag:s0] =	ssyncadd.tile.s32 @!p0 $0x1;
	_ =	shalt  }
.Lfunc_end2:
_tile_overlayer_lowered:
.L_overlay_start_2:
0x91: {  	(tag) =	ssettag $0x2  }
0x92: {  	s0 =	rddreg [dreg:$0x0];
	s2 =	stileid.u32  }
0x93: {  	s1 =	rddreg [dreg:$0x1];
	p0 =	sne.s32 s2, $0x0  }
0x94: {  	s3 =	rddreg [dreg:$0x2];
	[bflag:$0x3] =	sbarrier.arrive $0xFFFF;
	s2 =	simm.s32 @!p0 $0x1C09  }
0x95: {  	[timem:s3], [sflag:s2] =	dma.local @!p0 [hbm:s0], s1  }
0x96: {  	s0 =	simm.s32 @!p0 $0x9  }
0x97: {  	_ =	swait.ge @!p0 [sflag:s0], s1  }
0x98: {  	s1 =	ssub.s32 @!p0 $0x0, s1;
	[sflag:s0] =	ssyncset.done @!p0 $0x0  }
0x99: {  	[sflag:s0] =	ssyncadd.s32 @!p0 s1  }
0x9a: {  	[bflag:$0x3] =	sbarrier.arrive $0xFFFF  }
0x9b: {  	_ =	shalt  }

// kernel: kernel.15.cloned.1.call-start
scs
__scs_entry_jumppad:
0x0: {  	(pc) =	sbr.rel $0x88, $3  }
0x1: {  	(tag) =	ssettag $0x0;
	lr =	simm.s32 $0x1  }
0x2: {  	[smem:$0x3F99] =	sst lr;
	_ =	strace $0xD0000000  }
0x3: {  	_ = 	snop  }
0x4: {  	_ = 	snop  }
0x5: {  	_ = 	snop  }
0x6: {  	_ = 	snop  }
0x7: {  	_ = 	snop  }
__scs_overlays_trampoline_lowered:
0x8: {  	[smem:$0x3FA8] =	sst s0  }
0x9: {  	[smem:$0x3FA9] =	sst s1  }
0xa: {  	[smem:$0x3FAA] =	sst s2  }
0xb: {  	[smem:$0x3FAB] =	sst s3  }
0xc: {  	[smem:$0x3FAC] =	sst s4  }
0xd: {  	[smem:$0x3FAD] =	sst s5  }
0xe: {  	[smem:$0x3FAE] =	sst s6  }
0xf: {  	[smem:$0x3FAF] =	sst s7  }
0x10: {  	[smem:$0x3FB0] =	sst s8  }
0x11: {  	[smem:$0x3FB1] =	sst s9;
	s0 =	simm.s32 @!p0 $0x0  }
0x12: {  	s1 =	sld [smem:$0x3F97];
	s0 =	simm.s32 @p0 $0x1  }
0x13: {  	[smem:$0x3FB2] =	sst s0;
	s0 =	simm.s32 @!p1 $0x0  }
0x14: {  	s2 =	sld [smem:$0x3F96];
	s0 =	simm.s32 @p1 $0x1  }
0x15: {  	[smem:$0x3FB3] =	sst s0;
	s0 =	simm.s32 @!p2 $0x0  }
0x16: {  	s3 =	sld [smem:$0x3FDB];
	s0 =	simm.s32 @p2 $0x1  }
0x17: {  	s4 =	simm.s32 $0x1BF5;
	[smem:$0x3FB5] =	sst s0  }
0x18: {  	s0 =	sld [smem:$0x3F98];
	_ =	swait.ge [sflag:s4], $0x0  }
0x19: {  	s7 =	sld [smem:$0x3F99]  }
0x1a: {  	s8 =	sadd.s32 $0xFFFFE003, lr  }
0x1b: {  	s9 =	sadd.s32 $0xFFFFFEF7, lr;
	s5 =	simm.s32 $0xFFFFFFFF;
	p2 =	slt.u32 s8, $0xFFFFF086  }
0x1c: {  	p1 =	slt.u32 s9, $0xF7A;
	s5 =	simm.s32 @!p2 $0x0  }
0x1d: {  	s5 =	simm.s32 @p1 $0x1;
	p0 =	seq.s32 s7, s2  }
0x1e: {  	s7 =	smul.u32 @!p0 $0xF7A, s2;
	p2 =	seq.s32 @!p0 s5, $0x0  }
0x1f: {  	s9 =	smul.u32 $0xF7A, s1;
	s8 =	simm.s32 @!p0 $0x1BF5;
	p2 =	por !p2, p0  }
0x20: {  	[sflag:s8] =	ssyncset.s32 @!p0 $0xFFFFF086;
	s6 =	sadd.s32 @!p0 s3, s7;
	s7 =	simm.s32 @!p0 $0x108  }
0x21: {  	s3 =	sadd.s32 s3, s9;
	s6 =	sadd.s32 @!p0 $0x88, s6;
	s7 =	simm.s32 @p2 $0x1082  }
0x22: {  	[simem:s7], [sflag:s8] =	dma.local @!p0 [hbm:s6], $0xF7A  }
0x23: {  	s9 =	sor.u32 $0xD0000000, s2;
	s6 =	simm.s32 $0x108;
	_ =	swait.ge @!p0 [sflag:s8], $0x0  }
0x24: {  	s3 =	sadd.s32 $0x88, s3;
	s6 =	simm.s32 @!p1 $0x1082;
	[sflag:s4] =	ssyncset.s32 $0xFFFFF086  }
0x25: {  	[simem:s6], [sflag:s4] =	dma.local [hbm:s3], $0xF7A  }
0x26: {  	[smem:$0x3F99] =	sst s1;
	(tag) =	ssettag s2;
	_ =	strace s9  }
0x27: {  	s1 =	sld [smem:$0x3FA9]  }
0x28: {  	s2 =	sld [smem:$0x3FAA]  }
0x29: {  	s4 =	sld [smem:$0x3FAC]  }
0x2a: {  	p0 =	seq.s32 s5, $0x0;
	s5 =	sld [smem:$0x3FAD]  }
0x2b: {  	s6 =	sld [smem:$0x3FAE]  }
0x2c: {  	s7 =	sld [smem:$0x3FAF]  }
0x2d: {  	s3 =	simm.s32 $0x108;
	s8 =	sld [smem:$0x3FB0]  }
0x2e: {  	s3 =	simm.s32 @!p0 $0x1082;
	s9 =	sld [smem:$0x3FB1]  }
0x2f: {  	lr =	sadd.s32 s0, s3;
	s0 =	sld [smem:$0x3FA8]  }
0x30: {  	s3 =	sld [smem:$0x3FAB]  }
0x31: {  	[smem:$0x3FB4] =	sst s10  }
0x32: {  	s10 =	sld [smem:$0x3FB2];
	_ =	sdelay $0x3  }
0x33: {  	p0 =	seq.s32 s10, $0x1;
	s10 =	sld [smem:$0x3FB4];
	_ =	sdelay $0x3  }
0x34: {  	[smem:$0x3FB4] =	sst s10  }
0x35: {  	s10 =	sld [smem:$0x3FB3];
	_ =	sdelay $0x3  }
0x36: {  	p1 =	seq.s32 s10, $0x1;
	s10 =	sld [smem:$0x3FB4];
	_ =	sdelay $0x3  }
0x37: {  	[smem:$0x3FB4] =	sst s10  }
0x38: {  	s10 =	sld [smem:$0x3FB5]  }
0x39: {  	_ = 	snop;
	(pc) =	sbr.ind lr, $3  }
0x3a: {  	_ = 	snop  }
0x3b: {  	_ = 	snop  }
0x3c: {  	p2 =	seq.s32 s10, $0x1;
	s10 =	sld [smem:$0x3FB4]  }
0x3d: {  	_ =	shalt  }
0x3e: {  	_ =	shalt  }
0x3f: {  	_ =	shalt  }
0x40: {  	_ =	shalt  }
0x41: {  	_ =	shalt  }
0x42: {  	_ =	shalt  }
0x43: {  	_ =	shalt  }
0x44: {  	_ =	shalt  }
0x45: {  	_ =	shalt  }
0x46: {  	_ =	shalt  }
0x47: {  	_ =	shalt  }
0x48: {  	_ =	shalt  }
0x49: {  	_ =	shalt  }
0x4a: {  	_ =	shalt  }
0x4b: {  	_ =	shalt  }
0x4c: {  	_ =	shalt  }
0x4d: {  	_ =	shalt  }
0x4e: {  	_ =	shalt  }
0x4f: {  	_ =	shalt  }
0x50: {  	_ =	shalt  }
0x51: {  	_ =	shalt  }
0x52: {  	_ =	shalt  }
0x53: {  	_ =	shalt  }
0x54: {  	_ =	shalt  }
0x55: {  	_ =	shalt  }
0x56: {  	_ =	shalt  }
0x57: {  	_ =	shalt  }
0x58: {  	_ =	shalt  }
0x59: {  	_ =	shalt  }
0x5a: {  	_ =	shalt  }
0x5b: {  	_ =	shalt  }
0x5c: {  	_ =	shalt  }
0x5d: {  	_ =	shalt  }
0x5e: {  	_ =	shalt  }
0x5f: {  	_ =	shalt  }
0x60: {  	_ =	shalt  }
0x61: {  	_ =	shalt  }
0x62: {  	_ =	shalt  }
0x63: {  	_ =	shalt  }
0x64: {  	_ =	shalt  }
0x65: {  	_ =	shalt  }
0x66: {  	_ =	shalt  }
0x67: {  	_ =	shalt  }
0x68: {  	_ =	shalt  }
0x69: {  	_ =	shalt  }
0x6a: {  	_ =	shalt  }
0x6b: {  	_ =	shalt  }
0x6c: {  	_ =	shalt  }
0x6d: {  	_ =	shalt  }
0x6e: {  	_ =	shalt  }
0x6f: {  	_ =	shalt  }
0x70: {  	_ =	shalt  }
0x71: {  	_ =	shalt  }
0x72: {  	_ =	shalt  }
0x73: {  	_ =	shalt  }
0x74: {  	_ =	shalt  }
0x75: {  	_ =	shalt  }
0x76: {  	_ =	shalt  }
0x77: {  	_ =	shalt  }
0x78: {  	_ =	shalt  }
0x79: {  	_ =	shalt  }
0x7a: {  	_ =	shalt  }
0x7b: {  	_ =	shalt  }
0x7c: {  	_ =	shalt  }
0x7d: {  	_ =	shalt  }
0x7e: {  	_ =	shalt  }
0x7f: {  	_ =	shalt  }
0x80: {  	_ =	shalt  }
0x81: {  	_ =	shalt  }
0x82: {  	_ =	shalt  }
0x83: {  	_ =	shalt  }
0x84: {  	_ =	shalt  }
0x85: {  	_ =	shalt  }
0x86: {  	_ =	shalt  }
0x87: {  	_ =	shalt  }
.Lfunc_end0:
.L_simem_size_0:
called_computation.2_lowered:
.L_overlay_start_0:
0x88: {  	s2 =	sld [smem:$0x3FD9]  }
0x89: {  	s3 =	sld [smem:$0x3FFE];
	_ =	sdelay $0x1  }
0x8a: {  	s1 =	srdreg.scid  }
0x8b: {  	s0 =	sand.u32 $0x1, s1  }
0x8c: {  	s17 =	sshll.u32 s0, $0xA;
	s2 =	sadd.s32 s3, s2  }
0x8d: {  	s2 =	sadd.s32 s2, s17  }
0x8e: {  	[smem:$0x3FC0] =	sst s2  }
0x8f: {  	_ = 	snop  }
0x90: {  	s2 =	sld [smem:$0x3FD0];
	(tm) =	ssettm $0x1  }
0x91: {  	s18 =	sld [smem:$0x3FFB];
	_ =	sdelay $0x3  }
0x92: {  	_ =	strace s18  }
0x93: {  	s3 =	sld [smem:$0x3FFC];
	_ =	sdelay $0x3  }
0x94: {  	_ =	strace s3  }
0x95: {  	s3 =	sld [smem:$0x3FFD];
	_ =	sdelay $0x3  }
0x96: {  	_ =	strace s3  }
0x97: {  	_ =	strace $0x8FFFFFFF  }
0x98: {  	s19 =	sld [smem:$0x3FDB];
	_ =	sdelay $0x1  }
0x99: {  	s4 =	simm.s32 $_scs_section_size  }
0x9a: {  	s5 =	simm.s32 $_size__tile_overlayer_lowered;
	s6 =	simm.s32 $_tile_overlayer_lowered  }
0x9b: {  	s22 =	simm.s32 $0x1BFF;
	s21 =	sshll.u32 s6, $0x1;
	s3 =	sadd.s32 s4, s19  }
0x9c: {  	s7 =	simm.s32 $0x0;
	s20 =	sshll.u32 s5, $0x1;
	s5 =	sadd.s32 s21, s3  }
0x9d: {  	[timem:s7], [sflag:s22] =	dma.local [hbm:s5], s20  }
0x9e: {  	_ =	swait.ge [sflag:s22], s20  }
0x9f: {  	s4 =	ssub.s32 $0x0, s20;
	[sflag:s22] =	ssyncset.done $0x0  }
0xa0: {  	[sflag:s22] =	ssyncadd.s32 s4;
	_ =	sdelay $0x1  }
0xa1: {  	s23 =	simm.s32 $0x1B8B  }
0xa2: {  	_ =	swait.ge [sflag:s23], $0x1  }
0xa3: {  	[sflag:s23] =	ssyncset.done $0x0  }
0xa4: {  	s25 =	simm.s32 $0x1B8E;
	s24 =	sld [smem:$0x3FFE];
	[sflag:s23] =	ssyncadd.s32 $0xFFFFFFFF  }
0xa5: {  	s26 =	simm.s32 $execute0_lowered;
	[smem:$0x3FD2] =	sst s25  }
0xa6: {  	s5 =	sshll.u32 s26, $0x1;
	_ =	strace $0x8000004C;
	[dreg:$0x1] =	wrdreg $0xFFFFFFFF  }
0xa7: {  	s28 =	simm.s32 $_size_execute0_lowered;
	s3 =	sadd.s32 s3, s5;
	[dreg:$0x0] =	wrdreg $0x0  }
0xa8: {  	s5 =	sshll.u32 s28, $0x1;
	[dreg:$0x2] =	wrdreg s3  }
0xa9: {  	[dreg:$0x3] =	wrdreg s5  }
0xaa: {  	[dreg:$0x4] =	wrdreg $0xC0  }
0xab: {  	_ =	task [dreg:s7], $0x5FFFF  }
0xac: {  	[dreg:$0x1] =	wrdreg $0xFFFFFFFF  }
0xad: {  	[dreg:$0x0] =	wrdreg $0x60  }
0xae: {  	[dreg:$0x2] =	wrdreg s2  }
0xaf: {  	[dreg:$0x3] =	wrdreg s24  }
0xb0: {  	[dreg:$0x4] =	wrdreg $0x106800  }
0xb1: {  	[dreg:$0x5] =	wrdreg $0x9  }
0xb2: {  	_ =	task.clear_ibuf [dreg:s7], $0x6FFFF;
	_ =	strace $0x9000004C  }
0xb3: {  	s29 =	simm.s32 $0x9;
	_ =	strace $0x8000004E  }
0xb4: {  	_ =	swait.ge [sflag:s29], $0x1  }
0xb5: {  	[sflag:s29] =	ssyncadd.s32 $0xFFFFFFFF  }
0xb6: {  	_ =	strace $0x9000004E  }
0xb7: {  	_ =	sfence  }
0xb8: {  	s30 =	sld [smem:$0x0];
	_ =	sdelay $0x2  }
0xb9: {  	s31 =	sshll.u32 s1, $0xD;
	s1 =	sshrl.u32 s1, $0x2  }
0xba: {  	s3 =	sand.u32 $0x4000, s31;
	s1 =	sadd.s32 s1, s30  }
0xbb: {  	s0 =	sor.u32 s3, s0;
	s1 =	sshll.u32 s1, $0x11  }
0xbc: {  	s0 =	sor.u32 s1, s0  }
0xbd: {  	s0 =	sadd.s32 $0x8F2B, s0  }
0xbe: {  	[sflag:s0] =	ssyncadd.remote.s32 $0x1  }
0xbf: {  	_ =	sfence.sel $0xFFFF  }
0xc0: {  	[dreg:$0x0] =	wrdreg $0xFFFFFFFF;
	(pc) =	sbr.abs _section_cstart, $3  }
0xc1: {  	[dreg:$0x1] =	wrdreg $0xFFFFFFFF  }
0xc2: {  	_ =	task.clear_ibuf [dreg:s7], $0x2FFFF;
	_ =	strace $0x9FFFFFFF  }
0xc3: {  	(tm) =	ssettm $0x7FFFFFFF  }
tec
execute0_lowered:
.L_overlay_start_1:
0x0: {  	(tag) =	ssettag $0x1  }
0x1: {  	s1 =	rddreg [dreg:$0x0]  }
0x2: {  	s0 =	srdreg.scid;
	s2 =	rddreg [dreg:$0x1]  }
0x3: {  	s12 =	stileid.u32;
	s3 =	rddreg [dreg:$0x2]  }
0x4: {  	s14 =	simm.s32 $0x64;
	s15 =	simm.s32 $0xA280;
	s17 =	simm.s32 $0xBB80  }
0x5: {  	s19 =	simm.s32 $0xD480;
	s21 =	simm.s32 $0xED80;
	s22 =	simm.s32 $0x1  }
0x6: {  	s23 =	simm.s32 $0x2;
	s24 =	simm.s32 $0x3;
	s25 =	simm.s32 $0x4  }
0x7: {  	s28 =	simm.s32 $0x6;
	s29 =	simm.s32 $0x7;
	s6 =	smul.u32 $0xA28, s12  }
0x8: {  	s30 =	simm.s32 $0x8;
	s16 =	simm.s32 $0x10;
	s7 =	smul.u32 $0x14000, s12  }
0x9: {  	s18 =	simm.s32 $0x0;
	s0 =	sand.u32 $0x1, s0;
	s8 =	smul.u32 $0xA000, s12  }
0xa: {  	s31 =	sshll.u32 s12, $0x6;
	s4 =	sshll.u32 s0, $0x4;
	s9 =	sshll.u32 s0, $0x6  }
0xb: {  	s0 =	ssub.s32 $0x2, s0;
	s5 =	sor.u32 s12, s4;
	s4 =	simm.s32 $0x0  }
0xc: {  	s6 =	sadd.s32 s6, s2;
	s7 =	sor.u32 s9, s7;
	s26 =	sshrl.u32 s8, $0x3  }
0xd: {  	s10 =	sshrl.u32 s0, $0x1;
	s11 =	sadd.s32 s8, s3;
	s12 =	sor.u32 $0x1C09, s31  }
0xe: {  	s5 =	smul.u32 $0xA28, s5;
	[smem:$0x7FF] =	sst s4;
	s7 =	sshrl.u32 s7, $0x3  }
0xf: {  	s9 =	sadd.s32 s26, s2;
	s0 =	ssub.s32 s0, s10;
	s6 =	sadd.s32 $0x66A00, s6  }
0x10: {  	s10 =	simm.s32 $0x9;
	s13 =	sshrl.u32 s11, $0x3;
	s26 =	simm.s32 $0x5  }
0x11: {  	s11 =	simm.s32 $0xA218;
	_ =	strace $0x8000004D;
	s5 =	sadd.s32 s5, s2  }
0x12: {  	s2 =	sadd.s32 s7, s2;
	s7 =	sadd.s32 $0x3400, s9;
	s9 =	smax.u32 s0, $0x1  }
0x13: {  	s0 =	simm.s32 $0xA1B0;
	s5 =	sadd.s32 $0x52400, s5;
	s8 =	sadd.s32 $0x17400, s2  }
.LBB2_1:
0x14: {  	[tilespmem:s4], [sflag:$0x9] =	stream.linear.gather [hbm4b:s5+s4], $0x5140, $0x38;
	[tilespmem:$0x1A680] =	vst v63  }
0x15: {  	_ =	swait.ge [sflag:s10], $0x5140  }
0x16: {  	[sflag:s10] =	ssyncset.done $0x0  }
0x17: {  	s2 =	simm.s32 $0x5140;
	[sflag:s10] =	ssyncadd.s32 $0xFFFFAEC0  }
0x18: {  	[tilespmem:s2], [sflag:$0x9] =	stream.linear.gather [hbm4b:s6+s4], $0x5140, $0x38;
	[tilespmem:$0x1A680] =	vst v63  }
0x19: {  	_ =	swait.ge [sflag:s10], $0x5140  }
0x1a: {  	[sflag:s10] =	ssyncset.done $0x0  }
0x1b: {  	[sflag:s10] =	ssyncadd.s32 $0xFFFFAEC0  }
0x1c: {  	[spmem:s13], [sflag:s12] =	dma.local [hbm:s7], $0x1400  }
0x1d: {  	_ =	swait.ge [sflag:s10], $0x1400  }
0x1e: {  	[sflag:s10] =	ssyncset.done $0x0  }
0x1f: {  	[sflag:s10] =	ssyncadd.s32 $0xFFFFEC00  }
0x20: {  	[bflag:$0x0] =	sbarrier.arrive $0xFFFF  }
0x21: {  	[tilespmem:s15], [sflag:$0x1] =	stream.indirect.gather [hbm4b:s1+s14], $0x40, s4, s14, $0xb8;
	[tilespmem:$0x1A680] =	vst v63  }
0x22: {  	s20 =	simm.s32 $0x68  }
0x23: {  	[tilespmem:s17], [sflag:$0x2] =	stream.indirect.gather [hbm4b:s1+s14], $0x40, s20, s14, $0xb8;
	[tilespmem:$0x1A680] =	vst v63  }
0x24: {  	s20 =	simm.s32 $0xD0  }
0x25: {  	[tilespmem:s19], [sflag:$0x3] =	stream.indirect.gather [hbm4b:s1+s14], $0x40, s20, s14, $0xb8;
	[tilespmem:$0x1A680] =	vst v63  }
0x26: {  	s20 =	simm.s32 $0x138  }
0x27: {  	[tilespmem:s21], [sflag:$0x4] =	stream.indirect.gather [hbm4b:s1+s14], $0x40, s20, s14, $0xb8;
	[tilespmem:$0x1A680] =	vst v63  }
0x28: {  	_ =	swait.ge [sflag:s22], $0x1900  }
0x29: {  	[sflag:s22] =	ssyncset.done $0x0  }
0x2a: {  	s20 =	simm.s32 $0x5140;
	[sflag:s22] =	ssyncadd.s32 $0xFFFFE700  }
0x2b: {  	[spmem:s3] =	stream.indirect.scatter.add.f32 [tilespmem:s15], [sflag:$0x5], $0x40, s20, s14, $0xb8;
	[tilespmem:$0x1A680] =	vst v63  }
0x2c: {  	_ =	swait.ge [sflag:s23], $0x1900  }
0x2d: {  	[sflag:s23] =	ssyncset.done $0x0  }
0x2e: {  	s2 =	simm.s32 $0x51A8;
	[sflag:s23] =	ssyncadd.s32 $0xFFFFE700  }
0x2f: {  	[spmem:s3] =	stream.indirect.scatter.add.f32 [tilespmem:s17], [sflag:$0x6], $0x40, s2, s14, $0xb8;
	[tilespmem:$0x1A680] =	vst v63  }
0x30: {  	_ =	swait.ge [sflag:s24], $0x1900  }
0x31: {  	[sflag:s24] =	ssyncset.done $0x0  }
0x32: {  	s2 =	simm.s32 $0x5210;
	[sflag:s24] =	ssyncadd.s32 $0xFFFFE700  }
0x33: {  	[spmem:s3] =	stream.indirect.scatter.add.f32 [tilespmem:s19], [sflag:$0x7], $0x40, s2, s14, $0xb8;
	[tilespmem:$0x1A680] =	vst v63  }
0x34: {  	_ =	swait.ge [sflag:s25], $0x1900  }
0x35: {  	[sflag:s25] =	ssyncset.done $0x0  }
0x36: {  	s2 =	simm.s32 $0x5278;
	[sflag:s25] =	ssyncadd.s32 $0xFFFFE700  }
0x37: {  	[spmem:s3] =	stream.indirect.scatter.add.f32 [tilespmem:s21], [sflag:$0x8], $0x40, s2, s14, $0xb8;
	[tilespmem:$0x1A680] =	vst v63  }
0x38: {  	_ =	swait.ge [sflag:s26], $0x1900  }
0x39: {  	[sflag:s26] =	ssyncset.done $0x0  }
0x3a: {  	s2 =	simm.s32 $0x1A0;
	[sflag:s26] =	ssyncadd.s32 $0xFFFFE700  }
0x3b: {  	[tilespmem:s15], [sflag:$0x1] =	stream.indirect.gather [hbm4b:s1+s14], $0x40, s2, s14, $0xb8;
	[tilespmem:$0x1A680] =	vst v63  }
0x3c: {  	_ =	swait.ge [sflag:s28], $0x1900  }
0x3d: {  	[sflag:s28] =	ssyncset.done $0x0  }
0x3e: {  	s2 =	simm.s32 $0x208;
	[sflag:s28] =	ssyncadd.s32 $0xFFFFE700  }
0x3f: {  	[tilespmem:s17], [sflag:$0x2] =	stream.indirect.gather [hbm4b:s1+s14], $0x40, s2, s14, $0xb8;
	[tilespmem:$0x1A680] =	vst v63  }
0x40: {  	_ =	swait.ge [sflag:s29], $0x1900  }
0x41: {  	[sflag:s29] =	ssyncset.done $0x0  }
0x42: {  	s2 =	simm.s32 $0x270;
	[sflag:s29] =	ssyncadd.s32 $0xFFFFE700  }
0x43: {  	[tilespmem:s19], [sflag:$0x3] =	stream.indirect.gather [hbm4b:s1+s14], $0x40, s2, s14, $0xb8;
	[tilespmem:$0x1A680] =	vst v63  }
0x44: {  	_ =	swait.ge [sflag:s30], $0x1900  }
0x45: {  	[sflag:s30] =	ssyncset.done $0x0  }
0x46: {  	s31 =	simm.s32 $0x2D8;
	s20 =	simm.s32 $0x680;
	[sflag:s30] =	ssyncadd.s32 $0xFFFFE700  }
.LBB2_2:
0x47: {  	[tilespmem:s21], [sflag:$0x4] =	stream.indirect.gather [hbm4b:s1+s14], $0x40, s31, s14, $0xb8;
	[tilespmem:$0x1A680] =	vst v63  }
0x48: {  	s31 =	smov.u32 s20  }
0x49: {  	p0 =	sne.s32 s20, $0x13800;
	s20 =	sadd.s32 $0x680, s20;
	_ =	swait.ge [sflag:s22], $0x1900  }
0x4a: {  	s31 =	sshra.s32 s31, $0x2;
	[sflag:s22] =	ssyncset.done $0x0  }
0x4b: {  	s2 =	sadd.s32 $0x5140, s31;
	[sflag:s22] =	ssyncadd.s32 $0xFFFFE700  }
0x4c: {  	[spmem:s3] =	stream.indirect.scatter.add.f32 [tilespmem:s15], [sflag:$0x5], $0x40, s2, s14, $0xb8;
	[tilespmem:$0x1A680] =	vst v63  }
0x4d: {  	_ =	swait.ge [sflag:s23], $0x1900  }
0x4e: {  	[sflag:s23] =	ssyncset.done $0x0  }
0x4f: {  	s2 =	sadd.s32 $0x51A8, s31;
	[sflag:s23] =	ssyncadd.s32 $0xFFFFE700  }
0x50: {  	[spmem:s3] =	stream.indirect.scatter.add.f32 [tilespmem:s17], [sflag:$0x6], $0x40, s2, s14, $0xb8;
	[tilespmem:$0x1A680] =	vst v63  }
0x51: {  	_ =	swait.ge [sflag:s24], $0x1900  }
0x52: {  	[sflag:s24] =	ssyncset.done $0x0  }
0x53: {  	s2 =	sadd.s32 $0x5210, s31;
	[sflag:s24] =	ssyncadd.s32 $0xFFFFE700  }
0x54: {  	[spmem:s3] =	stream.indirect.scatter.add.f32 [tilespmem:s19], [sflag:$0x7], $0x40, s2, s14, $0xb8;
	[tilespmem:$0x1A680] =	vst v63  }
0x55: {  	_ =	swait.ge [sflag:s25], $0x1900  }
0x56: {  	[sflag:s25] =	ssyncset.done $0x0  }
0x57: {  	s2 =	sadd.s32 $0x5278, s31;
	[sflag:s25] =	ssyncadd.s32 $0xFFFFE700  }
0x58: {  	[spmem:s3] =	stream.indirect.scatter.add.f32 [tilespmem:s21], [sflag:$0x8], $0x40, s2, s14, $0xb8;
	[tilespmem:$0x1A680] =	vst v63  }
0x59: {  	_ =	swait.ge [sflag:s26], $0x1900  }
0x5a: {  	[sflag:s26] =	ssyncset.done $0x0  }
0x5b: {  	s2 =	sadd.s32 $0x1A0, s31;
	[sflag:s26] =	ssyncadd.s32 $0xFFFFE700  }
0x5c: {  	[tilespmem:s15], [sflag:$0x1] =	stream.indirect.gather [hbm4b:s1+s14], $0x40, s2, s14, $0xb8;
	[tilespmem:$0x1A680] =	vst v63  }
0x5d: {  	_ =	swait.ge [sflag:s28], $0x1900  }
0x5e: {  	[sflag:s28] =	ssyncset.done $0x0  }
0x5f: {  	s2 =	sadd.s32 $0x208, s31;
	[sflag:s28] =	ssyncadd.s32 $0xFFFFE700  }
0x60: {  	[tilespmem:s17], [sflag:$0x2] =	stream.indirect.gather [hbm4b:s1+s14], $0x40, s2, s14, $0xb8;
	[tilespmem:$0x1A680] =	vst v63  }
0x61: {  	_ =	swait.ge [sflag:s29], $0x1900  }
0x62: {  	[sflag:s29] =	ssyncset.done $0x0  }
.Ltmp0:
0x63: {  	s2 =	sadd.s32 $0x270, s31;
	[sflag:s29] =	ssyncadd.s32 $0xFFFFE700;
	(pc) =	sbr.rel @p0 .LBB2_2-.Ltmp0, $4  }
0x64: {  	[tilespmem:s19], [sflag:$0x3] =	stream.indirect.gather [hbm4b:s1+s14], $0x40, s2, s14, $0xb8;
	[tilespmem:$0x1A680] =	vst v63  }
0x65: {  	_ =	swait.ge [sflag:s30], $0x1900  }
0x66: {  	[sflag:s30] =	ssyncset.done $0x0  }
0x67: {  	s31 =	sadd.s32 $0x2D8, s31;
	[sflag:s30] =	ssyncadd.s32 $0xFFFFE700  }
0x68: {  	[tilespmem:s21], [sflag:$0x4] =	stream.indirect.gather [hbm4b:s1+s14], $0x40, s31, s14, $0xb8;
	[tilespmem:$0x1A680] =	vst v63  }
0x69: {  	_ =	swait.ge [sflag:s22], $0x1900  }
0x6a: {  	[sflag:s22] =	ssyncset.done $0x0  }
0x6b: {  	s2 =	simm.s32 $0xA0E0;
	[sflag:s22] =	ssyncadd.s32 $0xFFFFE700  }
0x6c: {  	[spmem:s3] =	stream.indirect.scatter.add.f32 [tilespmem:s15], [sflag:$0x5], $0x40, s2, s14, $0xb8;
	[tilespmem:$0x1A680] =	vst v63  }
0x6d: {  	_ =	swait.ge [sflag:s23], $0x1900  }
0x6e: {  	[sflag:s23] =	ssyncset.done $0x0  }
0x6f: {  	s31 =	simm.s32 $0xA148;
	[sflag:s23] =	ssyncadd.s32 $0xFFFFE700  }
0x70: {  	[spmem:s3] =	stream.indirect.scatter.add.f32 [tilespmem:s17], [sflag:$0x6], $0x40, s31, s14, $0xb8;
	[tilespmem:$0x1A680] =	vst v63  }
0x71: {  	_ =	swait.ge [sflag:s24], $0x1900  }
0x72: {  	[sflag:s24] =	ssyncset.done $0x0  }
0x73: {  	[sflag:s24] =	ssyncadd.s32 $0xFFFFE700  }
0x74: {  	[spmem:s3] =	stream.indirect.scatter.add.f32 [tilespmem:s19], [sflag:$0x7], $0x40, s0, s14, $0xb8;
	[tilespmem:$0x1A680] =	vst v63  }
0x75: {  	_ =	swait.ge [sflag:s25], $0x1900  }
0x76: {  	[sflag:s25] =	ssyncset.done $0x0  }
0x77: {  	[sflag:s25] =	ssyncadd.s32 $0xFFFFE700  }
0x78: {  	[spmem:s3] =	stream.indirect.scatter.add.f32 [tilespmem:s21], [sflag:$0x8], $0x40, s11, s14, $0xb8;
	[tilespmem:$0x1A680] =	vst v63  }
0x79: {  	_ =	swait.ge [sflag:s26], $0x1900  }
0x7a: {  	[sflag:s26] =	ssyncset.done $0x0  }
0x7b: {  	[sflag:s26] =	ssyncadd.s32 $0xFFFFE700  }
0x7c: {  	_ =	swait.ge [sflag:s28], $0x1900  }
0x7d: {  	[sflag:s28] =	ssyncset.done $0x0  }
0x7e: {  	[sflag:s28] =	ssyncadd.s32 $0xFFFFE700  }
0x7f: {  	_ =	swait.ge [sflag:s29], $0x1900  }
0x80: {  	[sflag:s29] =	ssyncset.done $0x0  }
0x81: {  	[sflag:s29] =	ssyncadd.s32 $0xFFFFE700  }
0x82: {  	_ =	swait.ge [sflag:s30], $0x1900  }
0x83: {  	s18 =	sadd.s32 $0x1, s18;
	[sflag:s30] =	ssyncset.done $0x0  }
0x84: {  	p0 =	sne.s32 s18, s9;
	[sflag:s30] =	ssyncadd.s32 $0xFFFFE700  }
.Ltmp1:
0x85: {  	[bflag:$0x0] =	sbarrier.arrive $0xFFFF;
	(pc) =	sbr.rel @p0 .LBB2_1-.Ltmp1, $4  }
0x86: {  	[hbm:s8@s16], [sflag:s12] =	dma.strided [spmem:s13@s30], $0x1400, s22, $0x8   }
0x87: {  	_ =	swait.ge [sflag:s10], $0x1400  }
0x88: {  	[sflag:s10] =	ssyncset.done $0x0  }
0x89: {  	[sflag:s10] =	ssyncadd.s32 $0xFFFFEC00  }
0x8a: {  	_ =	sfence.sel $0x180000  }
0x8b: {  	[bflag:$0x0] =	sbarrier.arrive $0xFFFF  }
0x8c: {  	_ =	strace $0x9000004D  }
0x8d: {  	s0 =	stileid.u32;
	[bflag:$0x2] =	sbarrier.arrive $0xFFFF  }
0x8e: {  	p0 =	sne.s32 s0, $0x0;
	s0 =	rddreg [dreg:$0x3]  }
0x8f: {  	s0 =	sadd.s32 @!p0 $0x100000, s0  }
0x90: {  	[sflag:s0] =	ssyncadd.tile.s32 @!p0 $0x1;
	_ =	shalt  }
.Lfunc_end2:
_tile_overlayer_lowered:
.L_overlay_start_2:
0x91: {  	(tag) =	ssettag $0x2  }
0x92: {  	s0 =	rddreg [dreg:$0x0];
	s2 =	stileid.u32  }
0x93: {  	s1 =	rddreg [dreg:$0x1];
	p0 =	sne.s32 s2, $0x0  }
0x94: {  	s3 =	rddreg [dreg:$0x2];
	[bflag:$0x3] =	sbarrier.arrive $0xFFFF;
	s2 =	simm.s32 @!p0 $0x1C09  }
0x95: {  	[timem:s3], [sflag:s2] =	dma.local @!p0 [hbm:s0], s1  }
0x96: {  	s0 =	simm.s32 @!p0 $0x9  }
0x97: {  	_ =	swait.ge @!p0 [sflag:s0], s1  }
0x98: {  	s1 =	ssub.s32 @!p0 $0x0, s1;
	[sflag:s0] =	ssyncset.done @!p0 $0x0  }
0x99: {  	[sflag:s0] =	ssyncadd.s32 @!p0 s1  }
0x9a: {  	[bflag:$0x3] =	sbarrier.arrive $0xFFFF  }
0x9b: {  	_ =	shalt  }

// kernel: kernel.9.cloned.1.call-start
scs
__scs_entry_jumppad:
0x0: {  	(pc) =	sbr.rel $0x88, $3  }
0x1: {  	(tag) =	ssettag $0x0;
	lr =	simm.s32 $0x1  }
0x2: {  	[smem:$0x3F99] =	sst lr;
	_ =	strace $0xD0000000  }
0x3: {  	_ = 	snop  }
0x4: {  	_ = 	snop  }
0x5: {  	_ = 	snop  }
0x6: {  	_ = 	snop  }
0x7: {  	_ = 	snop  }
__scs_overlays_trampoline_lowered:
0x8: {  	[smem:$0x3FA8] =	sst s0  }
0x9: {  	[smem:$0x3FA9] =	sst s1  }
0xa: {  	[smem:$0x3FAA] =	sst s2  }
0xb: {  	[smem:$0x3FAB] =	sst s3  }
0xc: {  	[smem:$0x3FAC] =	sst s4  }
0xd: {  	[smem:$0x3FAD] =	sst s5  }
0xe: {  	[smem:$0x3FAE] =	sst s6  }
0xf: {  	[smem:$0x3FAF] =	sst s7  }
0x10: {  	[smem:$0x3FB0] =	sst s8  }
0x11: {  	[smem:$0x3FB1] =	sst s9;
	s0 =	simm.s32 @!p0 $0x0  }
0x12: {  	s1 =	sld [smem:$0x3F97];
	s0 =	simm.s32 @p0 $0x1  }
0x13: {  	[smem:$0x3FB2] =	sst s0;
	s0 =	simm.s32 @!p1 $0x0  }
0x14: {  	s2 =	sld [smem:$0x3F96];
	s0 =	simm.s32 @p1 $0x1  }
0x15: {  	[smem:$0x3FB3] =	sst s0;
	s0 =	simm.s32 @!p2 $0x0  }
0x16: {  	s3 =	sld [smem:$0x3FDB];
	s0 =	simm.s32 @p2 $0x1  }
0x17: {  	s4 =	simm.s32 $0x1BF5;
	[smem:$0x3FB5] =	sst s0  }
0x18: {  	s0 =	sld [smem:$0x3F98];
	_ =	swait.ge [sflag:s4], $0x0  }
0x19: {  	s7 =	sld [smem:$0x3F99]  }
0x1a: {  	s8 =	sadd.s32 $0xFFFFE003, lr  }
0x1b: {  	s9 =	sadd.s32 $0xFFFFFEF7, lr;
	s5 =	simm.s32 $0xFFFFFFFF;
	p2 =	slt.u32 s8, $0xFFFFF086  }
0x1c: {  	p1 =	slt.u32 s9, $0xF7A;
	s5 =	simm.s32 @!p2 $0x0  }
0x1d: {  	s5 =	simm.s32 @p1 $0x1;
	p0 =	seq.s32 s7, s2  }
0x1e: {  	s7 =	smul.u32 @!p0 $0xF7A, s2;
	p2 =	seq.s32 @!p0 s5, $0x0  }
0x1f: {  	s9 =	smul.u32 $0xF7A, s1;
	s8 =	simm.s32 @!p0 $0x1BF5;
	p2 =	por !p2, p0  }
0x20: {  	[sflag:s8] =	ssyncset.s32 @!p0 $0xFFFFF086;
	s6 =	sadd.s32 @!p0 s3, s7;
	s7 =	simm.s32 @!p0 $0x108  }
0x21: {  	s3 =	sadd.s32 s3, s9;
	s6 =	sadd.s32 @!p0 $0x88, s6;
	s7 =	simm.s32 @p2 $0x1082  }
0x22: {  	[simem:s7], [sflag:s8] =	dma.local @!p0 [hbm:s6], $0xF7A  }
0x23: {  	s9 =	sor.u32 $0xD0000000, s2;
	s6 =	simm.s32 $0x108;
	_ =	swait.ge @!p0 [sflag:s8], $0x0  }
0x24: {  	s3 =	sadd.s32 $0x88, s3;
	s6 =	simm.s32 @!p1 $0x1082;
	[sflag:s4] =	ssyncset.s32 $0xFFFFF086  }
0x25: {  	[simem:s6], [sflag:s4] =	dma.local [hbm:s3], $0xF7A  }
0x26: {  	[smem:$0x3F99] =	sst s1;
	(tag) =	ssettag s2;
	_ =	strace s9  }
0x27: {  	s1 =	sld [smem:$0x3FA9]  }
0x28: {  	s2 =	sld [smem:$0x3FAA]  }
0x29: {  	s4 =	sld [smem:$0x3FAC]  }
0x2a: {  	p0 =	seq.s32 s5, $0x0;
	s5 =	sld [smem:$0x3FAD]  }
0x2b: {  	s6 =	sld [smem:$0x3FAE]  }
0x2c: {  	s7 =	sld [smem:$0x3FAF]  }
0x2d: {  	s3 =	simm.s32 $0x108;
	s8 =	sld [smem:$0x3FB0]  }
0x2e: {  	s3 =	simm.s32 @!p0 $0x1082;
	s9 =	sld [smem:$0x3FB1]  }
0x2f: {  	lr =	sadd.s32 s0, s3;
	s0 =	sld [smem:$0x3FA8]  }
0x30: {  	s3 =	sld [smem:$0x3FAB]  }
0x31: {  	[smem:$0x3FB4] =	sst s10  }
0x32: {  	s10 =	sld [smem:$0x3FB2];
	_ =	sdelay $0x3  }
0x33: {  	p0 =	seq.s32 s10, $0x1;
	s10 =	sld [smem:$0x3FB4];
	_ =	sdelay $0x3  }
0x34: {  	[smem:$0x3FB4] =	sst s10  }
0x35: {  	s10 =	sld [smem:$0x3FB3];
	_ =	sdelay $0x3  }
0x36: {  	p1 =	seq.s32 s10, $0x1;
	s10 =	sld [smem:$0x3FB4];
	_ =	sdelay $0x3  }
0x37: {  	[smem:$0x3FB4] =	sst s10  }
0x38: {  	s10 =	sld [smem:$0x3FB5]  }
0x39: {  	_ = 	snop;
	(pc) =	sbr.ind lr, $3  }
0x3a: {  	_ = 	snop  }
0x3b: {  	_ = 	snop  }
0x3c: {  	p2 =	seq.s32 s10, $0x1;
	s10 =	sld [smem:$0x3FB4]  }
0x3d: {  	_ =	shalt  }
0x3e: {  	_ =	shalt  }
0x3f: {  	_ =	shalt  }
0x40: {  	_ =	shalt  }
0x41: {  	_ =	shalt  }
0x42: {  	_ =	shalt  }
0x43: {  	_ =	shalt  }
0x44: {  	_ =	shalt  }
0x45: {  	_ =	shalt  }
0x46: {  	_ =	shalt  }
0x47: {  	_ =	shalt  }
0x48: {  	_ =	shalt  }
0x49: {  	_ =	shalt  }
0x4a: {  	_ =	shalt  }
0x4b: {  	_ =	shalt  }
0x4c: {  	_ =	shalt  }
0x4d: {  	_ =	shalt  }
0x4e: {  	_ =	shalt  }
0x4f: {  	_ =	shalt  }
0x50: {  	_ =	shalt  }
0x51: {  	_ =	shalt  }
0x52: {  	_ =	shalt  }
0x53: {  	_ =	shalt  }
0x54: {  	_ =	shalt  }
0x55: {  	_ =	shalt  }
0x56: {  	_ =	shalt  }
0x57: {  	_ =	shalt  }
0x58: {  	_ =	shalt  }
0x59: {  	_ =	shalt  }
0x5a: {  	_ =	shalt  }
0x5b: {  	_ =	shalt  }
0x5c: {  	_ =	shalt  }
0x5d: {  	_ =	shalt  }
0x5e: {  	_ =	shalt  }
0x5f: {  	_ =	shalt  }
0x60: {  	_ =	shalt  }
0x61: {  	_ =	shalt  }
0x62: {  	_ =	shalt  }
0x63: {  	_ =	shalt  }
0x64: {  	_ =	shalt  }
0x65: {  	_ =	shalt  }
0x66: {  	_ =	shalt  }
0x67: {  	_ =	shalt  }
0x68: {  	_ =	shalt  }
0x69: {  	_ =	shalt  }
0x6a: {  	_ =	shalt  }
0x6b: {  	_ =	shalt  }
0x6c: {  	_ =	shalt  }
0x6d: {  	_ =	shalt  }
0x6e: {  	_ =	shalt  }
0x6f: {  	_ =	shalt  }
0x70: {  	_ =	shalt  }
0x71: {  	_ =	shalt  }
0x72: {  	_ =	shalt  }
0x73: {  	_ =	shalt  }
0x74: {  	_ =	shalt  }
0x75: {  	_ =	shalt  }
0x76: {  	_ =	shalt  }
0x77: {  	_ =	shalt  }
0x78: {  	_ =	shalt  }
0x79: {  	_ =	shalt  }
0x7a: {  	_ =	shalt  }
0x7b: {  	_ =	shalt  }
0x7c: {  	_ =	shalt  }
0x7d: {  	_ =	shalt  }
0x7e: {  	_ =	shalt  }
0x7f: {  	_ =	shalt  }
0x80: {  	_ =	shalt  }
0x81: {  	_ =	shalt  }
0x82: {  	_ =	shalt  }
0x83: {  	_ =	shalt  }
0x84: {  	_ =	shalt  }
0x85: {  	_ =	shalt  }
0x86: {  	_ =	shalt  }
0x87: {  	_ =	shalt  }
.Lfunc_end0:
.L_simem_size_0:
called_computation_lowered:
.L_overlay_start_0:
0x88: {  	s2 =	sld [smem:$0x3FD9]  }
0x89: {  	s3 =	sld [smem:$0x3FFE];
	_ =	sdelay $0x1  }
0x8a: {  	s1 =	srdreg.scid  }
0x8b: {  	s0 =	sand.u32 $0x1, s1  }
0x8c: {  	s17 =	sshll.u32 s0, $0xA;
	s2 =	sadd.s32 s3, s2  }
0x8d: {  	s2 =	sadd.s32 s2, s17  }
0x8e: {  	[smem:$0x3FC0] =	sst s2  }
0x8f: {  	_ = 	snop  }
0x90: {  	s2 =	sld [smem:$0x3FD0];
	(tm) =	ssettm $0x1  }
0x91: {  	s18 =	sld [smem:$0x3FFB];
	_ =	sdelay $0x3  }
0x92: {  	_ =	strace s18  }
0x93: {  	s3 =	sld [smem:$0x3FFC];
	_ =	sdelay $0x3  }
0x94: {  	_ =	strace s3  }
0x95: {  	s3 =	sld [smem:$0x3FFD];
	_ =	sdelay $0x3  }
0x96: {  	_ =	strace s3  }
0x97: {  	_ =	strace $0x8FFFFFFF  }
0x98: {  	s19 =	sld [smem:$0x3FDB];
	_ =	sdelay $0x1  }
0x99: {  	s4 =	simm.s32 $_scs_section_size  }
0x9a: {  	s5 =	simm.s32 $_size__tile_overlayer_lowered;
	s6 =	simm.s32 $_tile_overlayer_lowered  }
0x9b: {  	s22 =	simm.s32 $0x1BFF;
	s21 =	sshll.u32 s6, $0x1;
	s3 =	sadd.s32 s4, s19  }
0x9c: {  	s7 =	simm.s32 $0x0;
	s20 =	sshll.u32 s5, $0x1;
	s5 =	sadd.s32 s21, s3  }
0x9d: {  	[timem:s7], [sflag:s22] =	dma.local [hbm:s5], s20  }
0x9e: {  	_ =	swait.ge [sflag:s22], s20  }
0x9f: {  	s4 =	ssub.s32 $0x0, s20;
	[sflag:s22] =	ssyncset.done $0x0  }
0xa0: {  	[sflag:s22] =	ssyncadd.s32 s4;
	_ =	sdelay $0x1  }
0xa1: {  	s23 =	simm.s32 $0x1B8B  }
0xa2: {  	_ =	swait.ge [sflag:s23], $0x1  }
0xa3: {  	[sflag:s23] =	ssyncset.done $0x0  }
0xa4: {  	s25 =	simm.s32 $0x1B8E;
	s24 =	sld [smem:$0x3FFE];
	[sflag:s23] =	ssyncadd.s32 $0xFFFFFFFF  }
0xa5: {  	s26 =	simm.s32 $execute0_lowered;
	[smem:$0x3FD2] =	sst s25  }
0xa6: {  	s5 =	sshll.u32 s26, $0x1;
	_ =	strace $0x80000046;
	[dreg:$0x1] =	wrdreg $0xFFFFFFFF  }
0xa7: {  	s28 =	simm.s32 $_size_execute0_lowered;
	s3 =	sadd.s32 s3, s5;
	[dreg:$0x0] =	wrdreg $0x0  }
0xa8: {  	s5 =	sshll.u32 s28, $0x1;
	[dreg:$0x2] =	wrdreg s3  }
0xa9: {  	[dreg:$0x3] =	wrdreg s5  }
0xaa: {  	[dreg:$0x4] =	wrdreg $0xC0  }
0xab: {  	_ =	task [dreg:s7], $0x5FFFF  }
0xac: {  	[dreg:$0x1] =	wrdreg $0xFFFFFFFF  }
0xad: {  	[dreg:$0x0] =	wrdreg $0x60  }
0xae: {  	[dreg:$0x2] =	wrdreg s24  }
0xaf: {  	[dreg:$0x3] =	wrdreg s2  }
0xb0: {  	[dreg:$0x4] =	wrdreg $0x9  }
0xb1: {  	_ =	task.clear_ibuf [dreg:s7], $0x5FFFF;
	_ =	strace $0x90000046  }
0xb2: {  	s29 =	simm.s32 $0x9;
	_ =	strace $0x80000048  }
0xb3: {  	_ =	swait.ge [sflag:s29], $0x1  }
0xb4: {  	[sflag:s29] =	ssyncadd.s32 $0xFFFFFFFF  }
0xb5: {  	_ =	strace $0x90000048  }
0xb6: {  	_ =	sfence  }
0xb7: {  	s30 =	sld [smem:$0x0];
	_ =	sdelay $0x2  }
0xb8: {  	s31 =	sshll.u32 s1, $0xD;
	s1 =	sshrl.u32 s1, $0x2  }
0xb9: {  	s3 =	sand.u32 $0x4000, s31;
	s1 =	sadd.s32 s1, s30  }
0xba: {  	s0 =	sor.u32 s3, s0;
	s1 =	sshll.u32 s1, $0x11  }
0xbb: {  	s0 =	sor.u32 s1, s0  }
0xbc: {  	s0 =	sadd.s32 $0x8F2B, s0  }
0xbd: {  	[sflag:s0] =	ssyncadd.remote.s32 $0x1  }
0xbe: {  	_ =	sfence.sel $0xFFFF  }
0xbf: {  	[dreg:$0x0] =	wrdreg $0xFFFFFFFF;
	(pc) =	sbr.abs _section_cstart, $3  }
0xc0: {  	[dreg:$0x1] =	wrdreg $0xFFFFFFFF  }
0xc1: {  	_ =	task.clear_ibuf [dreg:s7], $0x2FFFF;
	_ =	strace $0x9FFFFFFF  }
0xc2: {  	(tm) =	ssettm $0x7FFFFFFF  }
0xc3: {  	_ =	shalt  }
tec
execute0_lowered:
.L_overlay_start_1:
0x0: {  	(tag) =	ssettag $0x1  }
0x1: {  	s0 =	srdreg.scid  }
0x2: {  	s4 =	rddreg [dreg:$0x0];
	s3 =	sand.u32 $0x1, s0  }
0x3: {  	s5 =	rddreg [dreg:$0x1];
	s0 =	stileid.u32;
	s1 =	sshll.u32 s3, $0x4  }
0x4: {  	s2 =	simm.s32 $0x0;
	s9 =	simm.s32 $0x400;
	s6 =	sor.u32 s0, s1  }
0x5: {  	s10 =	simm.s32 $0x0;
	[smem:$0x7FF] =	sst s2;
	s7 =	sshrl.u32 s6, $0x3  }
0x6: {  	s8 =	sshll.u32 s0, $0x7;
	s3 =	ssub.s32 $0x2, s3;
	s7 =	smul.u32 $0x14000, s7  }
0x7: {  	s1 =	rddreg [dreg:$0x2];
	s8 =	sand.u32 $0x380, s8;
	s6 =	smul.u32 $0x2780, s6  }
0x8: {  	_ =	strace $0x80000047;
	s31 =	sshrl.u32 s3, $0x1;
	s7 =	sor.u32 s8, s7  }
0x9: {  	s4 =	sadd.s32 s6, s4;
	s6 =	ssub.s32 s3, s31;
	s7 =	sshrl.u32 s7, $0x3  }
0xa: {  	s3 =	sadd.s32 $0x3400, s4;
	s8 =	simm.s32 $0x80;
	s4 =	sadd.s32 s5, s7  }
0xb: {  	v0 =	vimm.f32 $0.0e+00;
	v1 =	vimm.f32 $1.000000000e+00;
	s5 =	smax.u32 s6, $0x1;
	s6 =	simm.s32 $0x1;
	s7 =	simm.s32 $0x13C00  }
.LBB2_1:
0xc: {  	[tilespmem:s2], [sflag:$0x1] =	stream.linear.gather [hbm4b:s3+s2], $0x13880, $0x38;
	[tilespmem:$0x16400] =	vst v63  }
0xd: {  	_ =	swait.ge [sflag:s6], $0x13880  }
0xe: {  	[sflag:s6] =	ssyncset.done $0x0  }
0xf: {  	s11 =	simm.s32 $0x0;
	[sflag:s6] =	ssyncadd.s32 $0xFFFEC780  }
.LBB2_2:
0x10: {  	p0 =	sne.s32 s11, $0x9FC0  }
.Ltmp0:
0x11: {  	_ = 	snop;
	(pc) =	sbr.rel @p0 .LBB2_2-.Ltmp0, $3  }
0x12: {  	_ =	sdelay $0x1  }
0x13: {  	s12 =	sshra.s32 s11, $0x2  }
0x14: {  	s11 =	sadd.s32 $0x40, s11;
	[tilespmem:s12+$0x13C00] =	vst v0  }
0x15: {  	s12 =	simm.s32 $0x0;
	s11 =	simm.s32 $0x200  }
.LBB2_4:
0x16: {  	p0 =	sne.s32 s11, $0x4E000;
	v2 =	vld [tilespmem:s12+$0x0];
	_ =	sdelay $0x3  }
.Ltmp1:
0x17: {  	(pc) =	sbr.rel @p0 .LBB2_4-.Ltmp1, $2  }
0x18: {  	_ =	sdelay $0x2  }
0x19: {  	s12 =	sshra.s32 s11, $0x2;
	s11 =	sadd.s32 $0x200, s11;
	[tilespmem:v2+s7+$0x0] =	vst.idx.add.f32.msk $0xffff, v1  }
0x1a: {  	v2 =	vld [tilespmem:s12+$0x0];
	_ =	sdelay $0x5  }
0x1b: {  	s10 =	sadd.s32 $0x1, s10  }
0x1c: {  	p0 =	sne.s32 s10, s5  }
.Ltmp2:
0x1d: {  	[tilespmem:v2+s7+$0x0] =	vst.idx.add.f32.msk $0xffff, v1;
	(pc) =	sbr.rel @p0 .LBB2_1-.Ltmp2, $4  }
0x1e: {  	[hbm4b:s4+s8] =	stream.strided.scatter [tilespmem:s7], [sflag:$0x1], $0x2800, s9, s8, $0x38;
	[tilespmem:$0x16400] =	vst v63  }
0x1f: {  	_ =	swait.ge [sflag:s6], $0x2800  }
0x20: {  	[sflag:s6] =	ssyncset.done $0x0  }
0x21: {  	[sflag:s6] =	ssyncadd.s32 $0xFFFFD800  }
0x22: {  	_ =	sfence.sel $0x180000  }
0x23: {  	[bflag:$0x0] =	sbarrier.arrive $0xFFFF  }
0x24: {  	p0 =	sne.s32 s0, $0x0;
	_ =	strace $0x90000047  }
0x25: {  	s0 =	sadd.s32 @!p0 $0x100000, s1;
	[bflag:$0x2] =	sbarrier.arrive $0xFFFF  }
0x26: {  	[sflag:s0] =	ssyncadd.tile.s32 @!p0 $0x1;
	_ =	shalt  }
.Lfunc_end2:
_tile_overlayer_lowered:
.L_overlay_start_2:
0x27: {  	(tag) =	ssettag $0x2  }
0x28: {  	s0 =	rddreg [dreg:$0x0];
	s2 =	stileid.u32  }
0x29: {  	s1 =	rddreg [dreg:$0x1];
	p0 =	sne.s32 s2, $0x0  }
0x2a: {  	s3 =	rddreg [dreg:$0x2];
	[bflag:$0x3] =	sbarrier.arrive $0xFFFF;
	s2 =	simm.s32 @!p0 $0x1C01  }
0x2b: {  	[timem:s3], [sflag:s2] =	dma.local @!p0 [hbm:s0], s1  }
0x2c: {  	s0 =	simm.s32 @!p0 $0x1  }
0x2d: {  	_ =	swait.ge @!p0 [sflag:s0], s1  }
0x2e: {  	s1 =	ssub.s32 @!p0 $0x0, s1;
	[sflag:s0] =	ssyncset.done @!p0 $0x0  }
0x2f: {  	[sflag:s0] =	ssyncadd.s32 @!p0 s1  }
0x30: {  	[bflag:$0x3] =	sbarrier.arrive $0xFFFF  }
0x31: {  	_ =	shalt  }

</sc_bundles>
